<compile_context>
chip_gen: v7x
topology: tpu7x:2x2x1
jax: 0.10.2.dev20260603
libtpu: 0.0.44.dev20260713+nightly
codegen_flags: <defaults>
</compile_context>

<pallas_src>
import functools

import jax
import jax.numpy as jnp
from jax import lax
from jax.experimental import pallas as pl
from jax.experimental.pallas import tpu as pltpu
from jax.experimental.pallas import tpu_sc as plsc

B = 1024
L = 200
N = B * L
D_WORD = 300
D_PAD = 384
D_CHAR = 64
V_WORD = 100000
V_CHAR = 128
W = 16
HIDDEN = D_WORD + D_CHAR

NC = 2
NS = 16
NW = NC * NS
QN = 4
NQ = N // QN
B_PER_W = NQ // NW
CHUNK = 64
NCHUNK = B_PER_W // CHUNK

NB = 3200
GRID = N // NB

PAD_ROWS = 2000
PAD_GRID = V_WORD // PAD_ROWS


def _pad_body(t_ref, o_ref):
    o_ref[...] = jnp.concatenate(
        [t_ref[...], jnp.zeros((PAD_ROWS, D_PAD - D_WORD), jnp.float32)],
        axis=1)


def _pad_table(table):
    return pl.pallas_call(
        _pad_body,
        grid=(PAD_GRID,),
        in_specs=[pl.BlockSpec((PAD_ROWS, D_WORD), lambda i: (i, 0))],
        out_specs=pl.BlockSpec((PAD_ROWS, D_PAD), lambda i: (i, 0)),
        out_shape=jax.ShapeDtypeStruct((V_WORD, D_PAD), jnp.float32),
    )(table)


def _word_gather(idx_flat, table):

    @functools.partial(
        pl.kernel,
        out_type=jax.ShapeDtypeStruct((NQ, D_PAD), jnp.float32),
        mesh=plsc.VectorSubcoreMesh(core_axis_name="c", subcore_axis_name="s"),
        compiler_params=pltpu.CompilerParams(use_tc_tiling_on_sc=True),
        scratch_types=[
            pltpu.VMEM((CHUNK,), jnp.int32),
            pltpu.VMEM((CHUNK, D_PAD), jnp.float32),
            pltpu.SemaphoreType.DMA,
        ],
    )
    def k(idx_hbm, table_hbm, out_hbm, idx_v, rows_v, sem):
        wid = lax.axis_index("s") * NC + lax.axis_index("c")
        base = wid * B_PER_W

        def body(i, carry):
            off = pl.multiple_of(base + i * CHUNK, CHUNK)
            pltpu.sync_copy(idx_hbm.at[pl.ds(off, CHUNK)], idx_v)
            pltpu.async_copy(table_hbm.at[idx_v], rows_v, sem).wait()
            pltpu.sync_copy(rows_v, out_hbm.at[pl.ds(off, CHUNK)])
            return carry

        lax.fori_loop(0, NCHUNK, body, 0)

    return k(idx_flat, table)


def _dot_t(x, w):
    return lax.dot_general(x, w, (((1,), (1,)), ((), ())),
                           preferred_element_type=jnp.float32)


def _tc_body(w_ref, c_ref, ct_ref, w0_ref, w1_ref, b_ref, o_ref):
    wrows = w_ref[:, :D_WORD]
    ctab_t = ct_ref[...]

    ce_t = None
    for j in range(W):
        idxb = jnp.broadcast_to(c_ref[j, :][None, :], (D_CHAR, NB))
        e = jnp.take_along_axis(ctab_t, idxb, axis=1)
        ce_t = e if ce_t is None else jnp.maximum(ce_t, e)
    ce = ce_t.T

    x = jnp.concatenate([wrows, ce], axis=1)
    for w_cat_ref, bg_row, bt_row in ((w0_ref, 0, 1), (w1_ref, 2, 3)):
        z = jnp.dot(x.astype(jnp.bfloat16), w_cat_ref[...],
                    preferred_element_type=jnp.float32)
        g = jax.nn.sigmoid(z[:, :HIDDEN] + b_ref[bg_row, :][None, :])
        t = jnp.maximum(z[:, D_PAD:D_PAD + HIDDEN]
                        + b_ref[bt_row, :][None, :], 0.0)
        x = x + g * (t - x)
    o_ref[...] = x


def kernel(word_inputs, char_inputs, word_table, char_table,
           wt0, bt0, wg0, bg0, wt1, bt1, wg1, bg1):
    idx_flat = word_inputs.reshape(N)
    table_pad = _pad_table(word_table)

    biases = jnp.concatenate(
        [jnp.stack([bg0, bt0, bg1, bt1]), jnp.zeros((4, HIDDEN), jnp.float32)],
        axis=0)

    gap = jnp.zeros((HIDDEN, D_PAD - HIDDEN), jnp.bfloat16)
    tail = jnp.zeros((HIDDEN, 2 * D_PAD - D_PAD - HIDDEN), jnp.bfloat16)
    wcat0 = jnp.concatenate(
        [wg0.T.astype(jnp.bfloat16), gap, wt0.T.astype(jnp.bfloat16), tail],
        axis=1)
    wcat1 = jnp.concatenate(
        [wg1.T.astype(jnp.bfloat16), gap, wt1.T.astype(jnp.bfloat16), tail],
        axis=1)

    rep = lambda i: (0, 0)
    grid_q = NQ // NB
    outs = []
    for q in range(QN):
        wrows_q = _word_gather(
            lax.slice_in_dim(idx_flat, q * NQ, (q + 1) * NQ), table_pad)
        chars_t_q = lax.slice_in_dim(
            char_inputs, q * (B // QN), (q + 1) * (B // QN)).reshape(NQ, W).T
        out_q = pl.pallas_call(
            _tc_body,
            grid=(grid_q,),
            in_specs=[
                pl.BlockSpec((NB, D_PAD), lambda i: (i, 0)),
                pl.BlockSpec((W, NB), lambda i: (0, i)),
                pl.BlockSpec((D_CHAR, V_CHAR), rep),
                pl.BlockSpec((HIDDEN, 2 * D_PAD), rep),
                pl.BlockSpec((HIDDEN, 2 * D_PAD), rep),
                pl.BlockSpec((8, HIDDEN), rep),
            ],
            out_specs=pl.BlockSpec((NB, HIDDEN), lambda i: (i, 0)),
            out_shape=jax.ShapeDtypeStruct((NQ, HIDDEN), jnp.float32),
        )(wrows_q, chars_t_q, char_table.T, wcat0, wcat1, biases)
        outs.append(out_q)

    return jnp.concatenate(outs, axis=0).reshape(B, L, HIDDEN)

# --- scband reference (transcript-rebuilt; emitter-appended) ---
"""Pipeline reference for scband-input-embedding-40106404610277 (READ-ONLY COPY).

The authoritative reference and input builder live on the scoring server;
editing this copy changes nothing except your own understanding.
"""

import jax, jax.numpy as jnp
import numpy as np

V_WORD = 100000
D_WORD = 300
V_CHAR = 128
D_CHAR = 64
HIDDEN = D_WORD + D_CHAR  # 364
B = 1024
L = 200
MAX_WORD_LEN = 16


def setup_inputs(seed: int = 0) -> dict:
    key = jax.random.key(seed)
    ks = jax.random.split(key, 14)
    word_inputs = jax.random.randint(ks[0], (B, L), 0, V_WORD, dtype=jnp.int32)
    char_inputs = jax.random.randint(ks[1], (B, L, MAX_WORD_LEN), 0, V_CHAR, dtype=jnp.int32)
    word_table = jax.random.normal(ks[2], (V_WORD, D_WORD), dtype=jnp.float32) * 0.1
    char_table = jax.random.normal(ks[3], (V_CHAR, D_CHAR), dtype=jnp.float32) * 0.1
    char_table = char_table.at[0].set(0.0)  # padding_idx=0
    s = 1.0 / np.sqrt(HIDDEN)
    wt0 = jax.random.uniform(ks[4], (HIDDEN, HIDDEN), jnp.float32, -s, s)
    bt0 = jax.random.uniform(ks[5], (HIDDEN,), jnp.float32, -s, s)
    wg0 = jax.random.uniform(ks[6], (HIDDEN, HIDDEN), jnp.float32, -s, s)
    bg0 = jax.random.uniform(ks[7], (HIDDEN,), jnp.float32, -s, s)
    wt1 = jax.random.uniform(ks[8], (HIDDEN, HIDDEN), jnp.float32, -s, s)
    bt1 = jax.random.uniform(ks[9], (HIDDEN,), jnp.float32, -s, s)
    wg1 = jax.random.uniform(ks[10], (HIDDEN, HIDDEN), jnp.float32, -s, s)
    bg1 = jax.random.uniform(ks[11], (HIDDEN,), jnp.float32, -s, s)
    return {
        "word_inputs": word_inputs,
        "char_inputs": char_inputs,
        "word_table": word_table,
        "char_table": char_table,
        "wt0": wt0, "bt0": bt0, "wg0": wg0, "bg0": bg0,
        "wt1": wt1, "bt1": bt1, "wg1": wg1, "bg1": bg1,
    }


def reference(word_inputs, char_inputs, word_table, char_table,
              wt0, bt0, wg0, bg0, wt1, bt1, wg1, bg1):
    # word embedding lookup (gather) -- dropout is identity in eval mode
    word_emb = jnp.take(word_table, word_inputs, axis=0)  # [B, L, D_WORD]
    # char embeddings: flatten words, gather, max-pool over characters
    b, l, w = char_inputs.shape
    flat = char_inputs.reshape(-1, w)                      # [B*L, W]
    ce = jnp.take(char_table, flat, axis=0)                # [B*L, W, D_CHAR]
    ce = jnp.max(ce, axis=1)                               # [B*L, D_CHAR]
    char_emb = ce.reshape(b, l, -1)                        # [B, L, D_CHAR]
    x = jnp.concatenate([word_emb, char_emb], axis=2)      # [B, L, HIDDEN]
    # 2-layer highway encoder
    for (wt, bt, wg, bg) in ((wt0, bt0, wg0, bg0), (wt1, bt1, wg1, bg1)):
        g = jax.nn.sigmoid(x @ wg.T + bg)
        t = jax.nn.relu(x @ wt.T + bt)
        x = g * t + (1.0 - g) * x
    return x

if __name__ == "__main__":
    import jax
    _d = setup_inputs()
    print(jax.jit(kernel)(*tuple(_d.values())))

</pallas_src>

<mosaic_0001>
#map = affine_map<(d0, d1) -> (0)>
#map1 = affine_map<(d0, d1) -> (0, 0)>
module attributes {stable_mosaic.version = 14 : i64} {
  func.func @k(%arg0: i32, %arg1: i32, %arg2: memref<51200xi32, #tpu.memory_space<hbm>>, %arg3: memref<100000x384xf32, #tpu.memory_space<hbm>>, %arg4: memref<51200x384xf32, #tpu.memory_space<hbm>>, %arg5: memref<64xi32, #tpu.memory_space<vmem>>, %arg6: memref<64x384xf32, #tpu.memory_space<vmem>>, %arg7: memref<!tpu.dma_semaphore, #tpu.memory_space<semaphore_mem>>) attributes {dimension_semantics = [#tpu.dimension_semantics<core_parallel>, #tpu.dimension_semantics<subcore_parallel>], iteration_bounds = array<i64: 2, 16>, scalar_prefetch = 0 : i64, scratch_operands = 3 : i64, tpu.core_type = #tpu.core_type<sc_vector_subcore>, window_params = [{transform_indices = #map}, {transform_indices = #map1}, {transform_indices = #map1}]} {
    %mul3A = arith.constant 2 : i32
    %mul3A_0 = arith.muli %arg1, %mul3A : i32
    %add3A = arith.addi %mul3A_0, %arg0 : i32
    %mul3A_1 = arith.constant 1600 : i32
    %mul3A_2 = arith.muli %add3A, %mul3A_1 : i32
    %scan3A = arith.constant 0 : i32
    %scan3A_3 = arith.constant 0 : i32
    %scan3A_4 = arith.constant 25 : i32
    %scan3A_5 = arith.addi %scan3A_3, %scan3A_4 : i32
    %scan3A_6 = arith.constant 1 : i32
    scf.for %scan3A_8 = %scan3A_3 to %scan3A_5 step %scan3A_6  : i32 {
      %mul3A_9 = arith.constant 64 : i32
      %mul3A_10 = arith.muli %scan3A_8, %mul3A_9 : i32
      %add3A_11 = arith.addi %mul3A_2, %mul3A_10 : i32
      %multiple_of3A = tpu.assume_multiple %add3A_11, 64 : i32
      "tpu.region"() ({
        %run_scoped3A = tpu.sem_alloc : memref<!tpu.dma_semaphore, #tpu.memory_space<semaphore_mem>>
        %dma_start3A_16 = tpu.memref_slice %arg2[%multiple_of3A] : memref<51200xi32, #tpu.memory_space<hbm>> -> memref<64xi32, #tpu.memory_space<hbm>>
        %dma_start3A_17 = tpu.memref_slice %arg2[%multiple_of3A] : memref<51200xi32, #tpu.memory_space<hbm>> -> memref<64xi32, #tpu.memory_space<hbm>>
        tpu.enqueue_dma source(%dma_start3A_17 : memref<64xi32, #tpu.memory_space<hbm>>) target(%arg5 : memref<64xi32, #tpu.memory_space<vmem>>) target_semaphore(%run_scoped3A : memref<!tpu.dma_semaphore, #tpu.memory_space<semaphore_mem>>)
        %dma_wait3A_18 = tpu.memref_slice %arg2[%multiple_of3A] : memref<51200xi32, #tpu.memory_space<hbm>> -> memref<64xi32, #tpu.memory_space<hbm>>
        %dma_wait3A_19 = tpu.memref_slice %arg2[%multiple_of3A] : memref<51200xi32, #tpu.memory_space<hbm>> -> memref<64xi32, #tpu.memory_space<hbm>>
        tpu.wait_dma2 semaphore(%run_scoped3A : memref<!tpu.dma_semaphore, #tpu.memory_space<semaphore_mem>>) src(%dma_wait3A_19 : memref<64xi32, #tpu.memory_space<hbm>>) dst(%arg5 : memref<64xi32, #tpu.memory_space<vmem>>)
        tpu.yield
      }) : () -> ()
      %dma_start3A = arith.constant 0 : i32
      %dma_start3A_12 = arith.constant 0 : i32
      %dma_start3A_13 = tpu.memref_slice %arg3[%dma_start3A, %dma_start3A_12] : memref<100000x384xf32, #tpu.memory_space<hbm>> -> memref<100000x384xf32, #tpu.memory_space<hbm>>
      tpu.enqueue_indirect_dma source(%dma_start3A_13 : memref<100000x384xf32, #tpu.memory_space<hbm>>) target(%arg6 : memref<64x384xf32, #tpu.memory_space<vmem>>) offsets(%arg5 : memref<64xi32, #tpu.memory_space<vmem>>) semaphore(%arg7 : memref<!tpu.dma_semaphore, #tpu.memory_space<semaphore_mem>>)
      %dma_wait3A = arith.constant 0 : i32
      %dma_wait3A_14 = arith.constant 0 : i32
      %dma_wait3A_15 = tpu.memref_slice %arg3[%dma_wait3A, %dma_wait3A_14] : memref<100000x384xf32, #tpu.memory_space<hbm>> -> memref<100000x384xf32, #tpu.memory_space<hbm>>
      tpu.wait_indirect_dma semaphore(%arg7 : memref<!tpu.dma_semaphore, #tpu.memory_space<semaphore_mem>>) src(%dma_wait3A_15 : memref<100000x384xf32, #tpu.memory_space<hbm>>) dst(%arg6 : memref<64x384xf32, #tpu.memory_space<vmem>>)
      "tpu.region"() ({
        %run_scoped3A = tpu.sem_alloc : memref<!tpu.dma_semaphore, #tpu.memory_space<semaphore_mem>>
        %dma_start3A_16 = arith.constant 0 : i32
        %dma_start3A_17 = tpu.memref_slice %arg4[%multiple_of3A, %dma_start3A_16] : memref<51200x384xf32, #tpu.memory_space<hbm>> -> memref<64x384xf32, #tpu.memory_space<hbm>>
        %dma_start3A_18 = arith.constant 0 : i32
        %dma_start3A_19 = tpu.memref_slice %arg4[%multiple_of3A, %dma_start3A_18] : memref<51200x384xf32, #tpu.memory_space<hbm>> -> memref<64x384xf32, #tpu.memory_space<hbm>>
        tpu.enqueue_dma source(%arg6 : memref<64x384xf32, #tpu.memory_space<vmem>>) target(%dma_start3A_19 : memref<64x384xf32, #tpu.memory_space<hbm>>) target_semaphore(%run_scoped3A : memref<!tpu.dma_semaphore, #tpu.memory_space<semaphore_mem>>)
        %dma_wait3A_20 = arith.constant 0 : i32
        %dma_wait3A_21 = tpu.memref_slice %arg4[%multiple_of3A, %dma_wait3A_20] : memref<51200x384xf32, #tpu.memory_space<hbm>> -> memref<64x384xf32, #tpu.memory_space<hbm>>
        %dma_wait3A_22 = arith.constant 0 : i32
        %dma_wait3A_23 = tpu.memref_slice %arg4[%multiple_of3A, %dma_wait3A_22] : memref<51200x384xf32, #tpu.memory_space<hbm>> -> memref<64x384xf32, #tpu.memory_space<hbm>>
        tpu.wait_dma2 semaphore(%run_scoped3A : memref<!tpu.dma_semaphore, #tpu.memory_space<semaphore_mem>>) src(%arg6 : memref<64x384xf32, #tpu.memory_space<vmem>>) dst(%dma_wait3A_23 : memref<64x384xf32, #tpu.memory_space<hbm>>)
        tpu.yield
      }) : () -> ()
    }
    %scan3A_7 = arith.constant 25 : i32
    return
  }
}

#map = affine_map<(d0, d1) -> (0)>
#map1 = affine_map<(d0, d1) -> (0, 0)>
module attributes {stable_mosaic.version = 14 : i64} {
  func.func @k(%arg0: i32, %arg1: i32, %arg2: memref<51200xi32, #tpu.memory_space<hbm>>, %arg3: memref<100000x384xf32, #tpu.memory_space<hbm>>, %arg4: memref<51200x384xf32, #tpu.memory_space<hbm>>, %arg5: memref<64xi32, #tpu.memory_space<vmem>>, %arg6: memref<64x384xf32, #tpu.memory_space<vmem>>, %arg7: memref<!tpu.dma_semaphore, #tpu.memory_space<semaphore_mem>>) attributes {dimension_semantics = [#tpu.dimension_semantics<core_parallel>, #tpu.dimension_semantics<subcore_parallel>], iteration_bounds = array<i64: 2, 16>, scalar_prefetch = 0 : i64, scratch_operands = 3 : i64, tpu.core_type = #tpu.core_type<sc_vector_subcore>, window_params = [{transform_indices = #map}, {transform_indices = #map1}, {transform_indices = #map1}]} {
    %mul3A = arith.constant 2 : i32
    %mul3A_0 = arith.muli %arg1, %mul3A : i32
    %add3A = arith.addi %mul3A_0, %arg0 : i32
    %mul3A_1 = arith.constant 1600 : i32
    %mul3A_2 = arith.muli %add3A, %mul3A_1 : i32
    %scan3A = arith.constant 0 : i32
    %scan3A_3 = arith.constant 0 : i32
    %scan3A_4 = arith.constant 25 : i32
    %scan3A_5 = arith.addi %scan3A_3, %scan3A_4 : i32
    %scan3A_6 = arith.constant 1 : i32
    scf.for %scan3A_8 = %scan3A_3 to %scan3A_5 step %scan3A_6  : i32 {
      %mul3A_9 = arith.constant 64 : i32
      %mul3A_10 = arith.muli %scan3A_8, %mul3A_9 : i32
      %add3A_11 = arith.addi %mul3A_2, %mul3A_10 : i32
      %multiple_of3A = tpu.assume_multiple %add3A_11, 64 : i32
      "tpu.region"() ({
        %run_scoped3A = tpu.sem_alloc : memref<!tpu.dma_semaphore, #tpu.memory_space<semaphore_mem>>
        %dma_start3A_16 = tpu.memref_slice %arg2[%multiple_of3A] : memref<51200xi32, #tpu.memory_space<hbm>> -> memref<64xi32, #tpu.memory_space<hbm>>
        %dma_start3A_17 = tpu.memref_slice %arg2[%multiple_of3A] : memref<51200xi32, #tpu.memory_space<hbm>> -> memref<64xi32, #tpu.memory_space<hbm>>
        tpu.enqueue_dma source(%dma_start3A_17 : memref<64xi32, #tpu.memory_space<hbm>>) target(%arg5 : memref<64xi32, #tpu.memory_space<vmem>>) target_semaphore(%run_scoped3A : memref<!tpu.dma_semaphore, #tpu.memory_space<semaphore_mem>>)
        %dma_wait3A_18 = tpu.memref_slice %arg2[%multiple_of3A] : memref<51200xi32, #tpu.memory_space<hbm>> -> memref<64xi32, #tpu.memory_space<hbm>>
        %dma_wait3A_19 = tpu.memref_slice %arg2[%multiple_of3A] : memref<51200xi32, #tpu.memory_space<hbm>> -> memref<64xi32, #tpu.memory_space<hbm>>
        tpu.wait_dma2 semaphore(%run_scoped3A : memref<!tpu.dma_semaphore, #tpu.memory_space<semaphore_mem>>) src(%dma_wait3A_19 : memref<64xi32, #tpu.memory_space<hbm>>) dst(%arg5 : memref<64xi32, #tpu.memory_space<vmem>>)
        tpu.yield
      }) : () -> ()
      %dma_start3A = arith.constant 0 : i32
      %dma_start3A_12 = arith.constant 0 : i32
      %dma_start3A_13 = tpu.memref_slice %arg3[%dma_start3A, %dma_start3A_12] : memref<100000x384xf32, #tpu.memory_space<hbm>> -> memref<100000x384xf32, #tpu.memory_space<hbm>>
      tpu.enqueue_indirect_dma source(%dma_start3A_13 : memref<100000x384xf32, #tpu.memory_space<hbm>>) target(%arg6 : memref<64x384xf32, #tpu.memory_space<vmem>>) offsets(%arg5 : memref<64xi32, #tpu.memory_space<vmem>>) semaphore(%arg7 : memref<!tpu.dma_semaphore, #tpu.memory_space<semaphore_mem>>)
      %dma_wait3A = arith.constant 0 : i32
      %dma_wait3A_14 = arith.constant 0 : i32
      %dma_wait3A_15 = tpu.memref_slice %arg3[%dma_wait3A, %dma_wait3A_14] : memref<100000x384xf32, #tpu.memory_space<hbm>> -> memref<100000x384xf32, #tpu.memory_space<hbm>>
      tpu.wait_indirect_dma semaphore(%arg7 : memref<!tpu.dma_semaphore, #tpu.memory_space<semaphore_mem>>) src(%dma_wait3A_15 : memref<100000x384xf32, #tpu.memory_space<hbm>>) dst(%arg6 : memref<64x384xf32, #tpu.memory_space<vmem>>)
      "tpu.region"() ({
        %run_scoped3A = tpu.sem_alloc : memref<!tpu.dma_semaphore, #tpu.memory_space<semaphore_mem>>
        %dma_start3A_16 = arith.constant 0 : i32
        %dma_start3A_17 = tpu.memref_slice %arg4[%multiple_of3A, %dma_start3A_16] : memref<51200x384xf32, #tpu.memory_space<hbm>> -> memref<64x384xf32, #tpu.memory_space<hbm>>
        %dma_start3A_18 = arith.constant 0 : i32
        %dma_start3A_19 = tpu.memref_slice %arg4[%multiple_of3A, %dma_start3A_18] : memref<51200x384xf32, #tpu.memory_space<hbm>> -> memref<64x384xf32, #tpu.memory_space<hbm>>
        tpu.enqueue_dma source(%arg6 : memref<64x384xf32, #tpu.memory_space<vmem>>) target(%dma_start3A_19 : memref<64x384xf32, #tpu.memory_space<hbm>>) target_semaphore(%run_scoped3A : memref<!tpu.dma_semaphore, #tpu.memory_space<semaphore_mem>>)
        %dma_wait3A_20 = arith.constant 0 : i32
        %dma_wait3A_21 = tpu.memref_slice %arg4[%multiple_of3A, %dma_wait3A_20] : memref<51200x384xf32, #tpu.memory_space<hbm>> -> memref<64x384xf32, #tpu.memory_space<hbm>>
        %dma_wait3A_22 = arith.constant 0 : i32
        %dma_wait3A_23 = tpu.memref_slice %arg4[%multiple_of3A, %dma_wait3A_22] : memref<51200x384xf32, #tpu.memory_space<hbm>> -> memref<64x384xf32, #tpu.memory_space<hbm>>
        tpu.wait_dma2 semaphore(%run_scoped3A : memref<!tpu.dma_semaphore, #tpu.memory_space<semaphore_mem>>) src(%arg6 : memref<64x384xf32, #tpu.memory_space<vmem>>) dst(%dma_wait3A_23 : memref<64x384xf32, #tpu.memory_space<hbm>>)
        tpu.yield
      }) : () -> ()
    }
    %scan3A_7 = arith.constant 25 : i32
    return
  }
}

#map = affine_map<(d0, d1) -> (0)>
#map1 = affine_map<(d0, d1) -> (0, 0)>
module attributes {stable_mosaic.version = 14 : i64} {
  func.func @k(%arg0: i32, %arg1: i32, %arg2: memref<51200xi32, #tpu.memory_space<hbm>>, %arg3: memref<100000x384xf32, #tpu.memory_space<hbm>>, %arg4: memref<51200x384xf32, #tpu.memory_space<hbm>>, %arg5: memref<64xi32, #tpu.memory_space<vmem>>, %arg6: memref<64x384xf32, #tpu.memory_space<vmem>>, %arg7: memref<!tpu.dma_semaphore, #tpu.memory_space<semaphore_mem>>) attributes {dimension_semantics = [#tpu.dimension_semantics<core_parallel>, #tpu.dimension_semantics<subcore_parallel>], iteration_bounds = array<i64: 2, 16>, scalar_prefetch = 0 : i64, scratch_operands = 3 : i64, tpu.core_type = #tpu.core_type<sc_vector_subcore>, window_params = [{transform_indices = #map}, {transform_indices = #map1}, {transform_indices = #map1}]} {
    %mul3A = arith.constant 2 : i32
    %mul3A_0 = arith.muli %arg1, %mul3A : i32
    %add3A = arith.addi %mul3A_0, %arg0 : i32
    %mul3A_1 = arith.constant 1600 : i32
    %mul3A_2 = arith.muli %add3A, %mul3A_1 : i32
    %scan3A = arith.constant 0 : i32
    %scan3A_3 = arith.constant 0 : i32
    %scan3A_4 = arith.constant 25 : i32
    %scan3A_5 = arith.addi %scan3A_3, %scan3A_4 : i32
    %scan3A_6 = arith.constant 1 : i32
    scf.for %scan3A_8 = %scan3A_3 to %scan3A_5 step %scan3A_6  : i32 {
      %mul3A_9 = arith.constant 64 : i32
      %mul3A_10 = arith.muli %scan3A_8, %mul3A_9 : i32
      %add3A_11 = arith.addi %mul3A_2, %mul3A_10 : i32
      %multiple_of3A = tpu.assume_multiple %add3A_11, 64 : i32
      "tpu.region"() ({
        %run_scoped3A = tpu.sem_alloc : memref<!tpu.dma_semaphore, #tpu.memory_space<semaphore_mem>>
        %dma_start3A_16 = tpu.memref_slice %arg2[%multiple_of3A] : memref<51200xi32, #tpu.memory_space<hbm>> -> memref<64xi32, #tpu.memory_space<hbm>>
        %dma_start3A_17 = tpu.memref_slice %arg2[%multiple_of3A] : memref<51200xi32, #tpu.memory_space<hbm>> -> memref<64xi32, #tpu.memory_space<hbm>>
        tpu.enqueue_dma source(%dma_start3A_17 : memref<64xi32, #tpu.memory_space<hbm>>) target(%arg5 : memref<64xi32, #tpu.memory_space<vmem>>) target_semaphore(%run_scoped3A : memref<!tpu.dma_semaphore, #tpu.memory_space<semaphore_mem>>)
        %dma_wait3A_18 = tpu.memref_slice %arg2[%multiple_of3A] : memref<51200xi32, #tpu.memory_space<hbm>> -> memref<64xi32, #tpu.memory_space<hbm>>
        %dma_wait3A_19 = tpu.memref_slice %arg2[%multiple_of3A] : memref<51200xi32, #tpu.memory_space<hbm>> -> memref<64xi32, #tpu.memory_space<hbm>>
        tpu.wait_dma2 semaphore(%run_scoped3A : memref<!tpu.dma_semaphore, #tpu.memory_space<semaphore_mem>>) src(%dma_wait3A_19 : memref<64xi32, #tpu.memory_space<hbm>>) dst(%arg5 : memref<64xi32, #tpu.memory_space<vmem>>)
        tpu.yield
      }) : () -> ()
      %dma_start3A = arith.constant 0 : i32
      %dma_start3A_12 = arith.constant 0 : i32
      %dma_start3A_13 = tpu.memref_slice %arg3[%dma_start3A, %dma_start3A_12] : memref<100000x384xf32, #tpu.memory_space<hbm>> -> memref<100000x384xf32, #tpu.memory_space<hbm>>
      tpu.enqueue_indirect_dma source(%dma_start3A_13 : memref<100000x384xf32, #tpu.memory_space<hbm>>) target(%arg6 : memref<64x384xf32, #tpu.memory_space<vmem>>) offsets(%arg5 : memref<64xi32, #tpu.memory_space<vmem>>) semaphore(%arg7 : memref<!tpu.dma_semaphore, #tpu.memory_space<semaphore_mem>>)
      %dma_wait3A = arith.constant 0 : i32
      %dma_wait3A_14 = arith.constant 0 : i32
      %dma_wait3A_15 = tpu.memref_slice %arg3[%dma_wait3A, %dma_wait3A_14] : memref<100000x384xf32, #tpu.memory_space<hbm>> -> memref<100000x384xf32, #tpu.memory_space<hbm>>
      tpu.wait_indirect_dma semaphore(%arg7 : memref<!tpu.dma_semaphore, #tpu.memory_space<semaphore_mem>>) src(%dma_wait3A_15 : memref<100000x384xf32, #tpu.memory_space<hbm>>) dst(%arg6 : memref<64x384xf32, #tpu.memory_space<vmem>>)
      "tpu.region"() ({
        %run_scoped3A = tpu.sem_alloc : memref<!tpu.dma_semaphore, #tpu.memory_space<semaphore_mem>>
        %dma_start3A_16 = arith.constant 0 : i32
        %dma_start3A_17 = tpu.memref_slice %arg4[%multiple_of3A, %dma_start3A_16] : memref<51200x384xf32, #tpu.memory_space<hbm>> -> memref<64x384xf32, #tpu.memory_space<hbm>>
        %dma_start3A_18 = arith.constant 0 : i32
        %dma_start3A_19 = tpu.memref_slice %arg4[%multiple_of3A, %dma_start3A_18] : memref<51200x384xf32, #tpu.memory_space<hbm>> -> memref<64x384xf32, #tpu.memory_space<hbm>>
        tpu.enqueue_dma source(%arg6 : memref<64x384xf32, #tpu.memory_space<vmem>>) target(%dma_start3A_19 : memref<64x384xf32, #tpu.memory_space<hbm>>) target_semaphore(%run_scoped3A : memref<!tpu.dma_semaphore, #tpu.memory_space<semaphore_mem>>)
        %dma_wait3A_20 = arith.constant 0 : i32
        %dma_wait3A_21 = tpu.memref_slice %arg4[%multiple_of3A, %dma_wait3A_20] : memref<51200x384xf32, #tpu.memory_space<hbm>> -> memref<64x384xf32, #tpu.memory_space<hbm>>
        %dma_wait3A_22 = arith.constant 0 : i32
        %dma_wait3A_23 = tpu.memref_slice %arg4[%multiple_of3A, %dma_wait3A_22] : memref<51200x384xf32, #tpu.memory_space<hbm>> -> memref<64x384xf32, #tpu.memory_space<hbm>>
        tpu.wait_dma2 semaphore(%run_scoped3A : memref<!tpu.dma_semaphore, #tpu.memory_space<semaphore_mem>>) src(%arg6 : memref<64x384xf32, #tpu.memory_space<vmem>>) dst(%dma_wait3A_23 : memref<64x384xf32, #tpu.memory_space<hbm>>)
        tpu.yield
      }) : () -> ()
    }
    %scan3A_7 = arith.constant 25 : i32
    return
  }
}

#map = affine_map<(d0, d1) -> (0)>
#map1 = affine_map<(d0, d1) -> (0, 0)>
module attributes {stable_mosaic.version = 14 : i64} {
  func.func @k(%arg0: i32, %arg1: i32, %arg2: memref<51200xi32, #tpu.memory_space<hbm>>, %arg3: memref<100000x384xf32, #tpu.memory_space<hbm>>, %arg4: memref<51200x384xf32, #tpu.memory_space<hbm>>, %arg5: memref<64xi32, #tpu.memory_space<vmem>>, %arg6: memref<64x384xf32, #tpu.memory_space<vmem>>, %arg7: memref<!tpu.dma_semaphore, #tpu.memory_space<semaphore_mem>>) attributes {dimension_semantics = [#tpu.dimension_semantics<core_parallel>, #tpu.dimension_semantics<subcore_parallel>], iteration_bounds = array<i64: 2, 16>, scalar_prefetch = 0 : i64, scratch_operands = 3 : i64, tpu.core_type = #tpu.core_type<sc_vector_subcore>, window_params = [{transform_indices = #map}, {transform_indices = #map1}, {transform_indices = #map1}]} {
    %mul3A = arith.constant 2 : i32
    %mul3A_0 = arith.muli %arg1, %mul3A : i32
    %add3A = arith.addi %mul3A_0, %arg0 : i32
    %mul3A_1 = arith.constant 1600 : i32
    %mul3A_2 = arith.muli %add3A, %mul3A_1 : i32
    %scan3A = arith.constant 0 : i32
    %scan3A_3 = arith.constant 0 : i32
    %scan3A_4 = arith.constant 25 : i32
    %scan3A_5 = arith.addi %scan3A_3, %scan3A_4 : i32
    %scan3A_6 = arith.constant 1 : i32
    scf.for %scan3A_8 = %scan3A_3 to %scan3A_5 step %scan3A_6  : i32 {
      %mul3A_9 = arith.constant 64 : i32
      %mul3A_10 = arith.muli %scan3A_8, %mul3A_9 : i32
      %add3A_11 = arith.addi %mul3A_2, %mul3A_10 : i32
      %multiple_of3A = tpu.assume_multiple %add3A_11, 64 : i32
      "tpu.region"() ({
        %run_scoped3A = tpu.sem_alloc : memref<!tpu.dma_semaphore, #tpu.memory_space<semaphore_mem>>
        %dma_start3A_16 = tpu.memref_slice %arg2[%multiple_of3A] : memref<51200xi32, #tpu.memory_space<hbm>> -> memref<64xi32, #tpu.memory_space<hbm>>
        %dma_start3A_17 = tpu.memref_slice %arg2[%multiple_of3A] : memref<51200xi32, #tpu.memory_space<hbm>> -> memref<64xi32, #tpu.memory_space<hbm>>
        tpu.enqueue_dma source(%dma_start3A_17 : memref<64xi32, #tpu.memory_space<hbm>>) target(%arg5 : memref<64xi32, #tpu.memory_space<vmem>>) target_semaphore(%run_scoped3A : memref<!tpu.dma_semaphore, #tpu.memory_space<semaphore_mem>>)
        %dma_wait3A_18 = tpu.memref_slice %arg2[%multiple_of3A] : memref<51200xi32, #tpu.memory_space<hbm>> -> memref<64xi32, #tpu.memory_space<hbm>>
        %dma_wait3A_19 = tpu.memref_slice %arg2[%multiple_of3A] : memref<51200xi32, #tpu.memory_space<hbm>> -> memref<64xi32, #tpu.memory_space<hbm>>
        tpu.wait_dma2 semaphore(%run_scoped3A : memref<!tpu.dma_semaphore, #tpu.memory_space<semaphore_mem>>) src(%dma_wait3A_19 : memref<64xi32, #tpu.memory_space<hbm>>) dst(%arg5 : memref<64xi32, #tpu.memory_space<vmem>>)
        tpu.yield
      }) : () -> ()
      %dma_start3A = arith.constant 0 : i32
      %dma_start3A_12 = arith.constant 0 : i32
      %dma_start3A_13 = tpu.memref_slice %arg3[%dma_start3A, %dma_start3A_12] : memref<100000x384xf32, #tpu.memory_space<hbm>> -> memref<100000x384xf32, #tpu.memory_space<hbm>>
      tpu.enqueue_indirect_dma source(%dma_start3A_13 : memref<100000x384xf32, #tpu.memory_space<hbm>>) target(%arg6 : memref<64x384xf32, #tpu.memory_space<vmem>>) offsets(%arg5 : memref<64xi32, #tpu.memory_space<vmem>>) semaphore(%arg7 : memref<!tpu.dma_semaphore, #tpu.memory_space<semaphore_mem>>)
      %dma_wait3A = arith.constant 0 : i32
      %dma_wait3A_14 = arith.constant 0 : i32
      %dma_wait3A_15 = tpu.memref_slice %arg3[%dma_wait3A, %dma_wait3A_14] : memref<100000x384xf32, #tpu.memory_space<hbm>> -> memref<100000x384xf32, #tpu.memory_space<hbm>>
      tpu.wait_indirect_dma semaphore(%arg7 : memref<!tpu.dma_semaphore, #tpu.memory_space<semaphore_mem>>) src(%dma_wait3A_15 : memref<100000x384xf32, #tpu.memory_space<hbm>>) dst(%arg6 : memref<64x384xf32, #tpu.memory_space<vmem>>)
      "tpu.region"() ({
        %run_scoped3A = tpu.sem_alloc : memref<!tpu.dma_semaphore, #tpu.memory_space<semaphore_mem>>
        %dma_start3A_16 = arith.constant 0 : i32
        %dma_start3A_17 = tpu.memref_slice %arg4[%multiple_of3A, %dma_start3A_16] : memref<51200x384xf32, #tpu.memory_space<hbm>> -> memref<64x384xf32, #tpu.memory_space<hbm>>
        %dma_start3A_18 = arith.constant 0 : i32
        %dma_start3A_19 = tpu.memref_slice %arg4[%multiple_of3A, %dma_start3A_18] : memref<51200x384xf32, #tpu.memory_space<hbm>> -> memref<64x384xf32, #tpu.memory_space<hbm>>
        tpu.enqueue_dma source(%arg6 : memref<64x384xf32, #tpu.memory_space<vmem>>) target(%dma_start3A_19 : memref<64x384xf32, #tpu.memory_space<hbm>>) target_semaphore(%run_scoped3A : memref<!tpu.dma_semaphore, #tpu.memory_space<semaphore_mem>>)
        %dma_wait3A_20 = arith.constant 0 : i32
        %dma_wait3A_21 = tpu.memref_slice %arg4[%multiple_of3A, %dma_wait3A_20] : memref<51200x384xf32, #tpu.memory_space<hbm>> -> memref<64x384xf32, #tpu.memory_space<hbm>>
        %dma_wait3A_22 = arith.constant 0 : i32
        %dma_wait3A_23 = tpu.memref_slice %arg4[%multiple_of3A, %dma_wait3A_22] : memref<51200x384xf32, #tpu.memory_space<hbm>> -> memref<64x384xf32, #tpu.memory_space<hbm>>
        tpu.wait_dma2 semaphore(%run_scoped3A : memref<!tpu.dma_semaphore, #tpu.memory_space<semaphore_mem>>) src(%arg6 : memref<64x384xf32, #tpu.memory_space<vmem>>) dst(%dma_wait3A_23 : memref<64x384xf32, #tpu.memory_space<hbm>>)
        tpu.yield
      }) : () -> ()
    }
    %scan3A_7 = arith.constant 25 : i32
    return
  }
}

module attributes {stable_mosaic.version = 14 : i64} {
  func.func @_pad_body(%arg0: i32, %arg1: memref<2000x300xf32, #tpu.memory_space<vmem>>, %arg2: memref<2000x384xf32, #tpu.memory_space<vmem>>) attributes {dimension_semantics = [#tpu.dimension_semantics<arbitrary>], iteration_bounds = array<i64: 50>, scalar_prefetch = 0 : i64, scratch_operands = 0 : i64, tpu.core_type = #tpu.core_type<tc>, window_params = [{transform_indices = @transform_0, window_bounds = array<i64: 2000, 300>}, {transform_indices = @transform_1, window_bounds = array<i64: 2000, 384>}]} {
    %get3A = arith.constant 0 : index
    %get3A_0 = arith.constant 0 : index
    %get3A_1 = vector.load %arg1[%get3A, %get3A_0] : memref<2000x300xf32, #tpu.memory_space<vmem>>, vector<2000x300xf32>
    %broadcast_in_dim3A = arith.constant 0.000000e+00 : f32
    %broadcast_in_dim3A_2 = vector.broadcast %broadcast_in_dim3A : f32 to vector<2000x84xf32>
    %concatenate3A = tpu.concatenate %get3A_1, %broadcast_in_dim3A_2 in 1 : vector<2000x300xf32>, vector<2000x84xf32> -> vector<2000x384xf32>
    %swap3A = arith.constant 0 : index
    %swap3A_3 = arith.constant 0 : index
    %swap3A_4 = vector.load %arg2[%swap3A, %swap3A_3] : memref<2000x384xf32, #tpu.memory_space<vmem>>, vector<2000x384xf32>
    tpu.vector_store %arg2[%swap3A, %swap3A_3], %concatenate3A {strides = array<i32>} : memref<2000x384xf32, #tpu.memory_space<vmem>>, vector<2000x384xf32>,
    return
  }
  func.func @transform_0(%arg0: i32) -> (i32, i32) {
    %c0_i32 = arith.constant 0 : i32
    %c0_i32_0 = arith.constant 0 : i32
    return %arg0, %c0_i32 : i32, i32
  }
  func.func @transform_1(%arg0: i32) -> (i32, i32) {
    %c0_i32 = arith.constant 0 : i32
    %c0_i32_0 = arith.constant 0 : i32
    return %arg0, %c0_i32 : i32, i32
  }
}

module attributes {stable_mosaic.version = 14 : i64} {
  func.func @_tc_body(%arg0: i32, %arg1: memref<3200x384xf32, #tpu.memory_space<vmem>>, %arg2: memref<16x3200xi32, #tpu.memory_space<vmem>>, %arg3: memref<64x128xf32, #tpu.memory_space<vmem>>, %arg4: memref<364x768xbf16, #tpu.memory_space<vmem>>, %arg5: memref<364x768xbf16, #tpu.memory_space<vmem>>, %arg6: memref<8x364xf32, #tpu.memory_space<vmem>>, %arg7: memref<3200x364xf32, #tpu.memory_space<vmem>>) attributes {dimension_semantics = [#tpu.dimension_semantics<arbitrary>], iteration_bounds = array<i64: 16>, scalar_prefetch = 0 : i64, scratch_operands = 0 : i64, tpu.core_type = #tpu.core_type<tc>, window_params = [{transform_indices = @transform_0, window_bounds = array<i64: 3200, 384>}, {transform_indices = @transform_1, window_bounds = array<i64: 16, 3200>}, {pipeline_mode = #tpu.pipeline_mode<synchronous>, transform_indices = @transform_2, window_bounds = array<i64: 64, 128>}, {pipeline_mode = #tpu.pipeline_mode<synchronous>, transform_indices = @transform_3, window_bounds = array<i64: 364, 768>}, {pipeline_mode = #tpu.pipeline_mode<synchronous>, transform_indices = @transform_4, window_bounds = array<i64: 364, 768>}, {pipeline_mode = #tpu.pipeline_mode<synchronous>, transform_indices = @transform_5, window_bounds = array<i64: 8, 364>}, {transform_indices = @transform_6, window_bounds = array<i64: 3200, 364>}]} {
    %get3A = arith.constant 0 : index
    %get3A_0 = arith.constant 0 : index
    %get3A_1 = vector.load %arg1[%get3A, %get3A_0] : memref<3200x384xf32, #tpu.memory_space<vmem>>, vector<3200x300xf32>
    %get3A_2 = arith.constant 0 : index
    %get3A_3 = arith.constant 0 : index
    %get3A_4 = vector.load %arg3[%get3A_2, %get3A_3] : memref<64x128xf32, #tpu.memory_space<vmem>>, vector<64x128xf32>
    %get3A_5 = arith.constant 0 : index
    %get3A_6 = arith.constant 0 : index
    %get3A_7 = vector.load %arg2[%get3A_5, %get3A_6] : memref<16x3200xi32, #tpu.memory_space<vmem>>, vector<1x3200xi32>
    %get3A_8 = vector.shape_cast %get3A_7 : vector<1x3200xi32> to vector<3200xi32>
    %broadcast_in_dim3A = vector.shape_cast %get3A_8 : vector<3200xi32> to vector<1x3200xi32>
    %broadcast_in_dim3A_9 = vector.shape_cast %broadcast_in_dim3A : vector<1x3200xi32> to vector<1x3200xi32>
    %broadcast_in_dim3A_10 = vector.broadcast %broadcast_in_dim3A_9 : vector<1x3200xi32> to vector<64x3200xi32>
    %lt3A = arith.constant 0 : i32
    %lt3A_11 = vector.broadcast %lt3A : i32 to vector<64x3200xi32>
    %lt3A_12 = arith.cmpi slt, %broadcast_in_dim3A_10, %lt3A_11 : vector<64x3200xi32>
    %add3A = arith.constant 128 : i32
    %add3A_13 = vector.broadcast %add3A : i32 to vector<64x3200xi32>
    %add3A_14 = arith.addi %broadcast_in_dim3A_10, %add3A_13 : vector<64x3200xi32>
    %select_n3A = arith.select %lt3A_12, %add3A_14, %broadcast_in_dim3A_10 : vector<64x3200xi1>, vector<64x3200xi32>
    %reshape3A = vector.shape_cast %select_n3A : vector<64x3200xi32> to vector<64x3200x1xi32>
    %gather3A = vector.shape_cast %reshape3A : vector<64x3200x1xi32> to vector<64x3200xi32>
    %gather3A_15 = tpu.dynamic_gather %get3A_4[%gather3A] in [1] : vector<64x128xf32>, vector<64x3200xi32> -> vector<64x3200xf32>
    %get3A_16 = arith.constant 1 : index
    %get3A_17 = arith.constant 0 : index
    %get3A_18 = vector.load %arg2[%get3A_16, %get3A_17] : memref<16x3200xi32, #tpu.memory_space<vmem>>, vector<1x3200xi32>
    %get3A_19 = vector.shape_cast %get3A_18 : vector<1x3200xi32> to vector<3200xi32>
    %broadcast_in_dim3A_20 = vector.shape_cast %get3A_19 : vector<3200xi32> to vector<1x3200xi32>
    %broadcast_in_dim3A_21 = vector.shape_cast %broadcast_in_dim3A_20 : vector<1x3200xi32> to vector<1x3200xi32>
    %broadcast_in_dim3A_22 = vector.broadcast %broadcast_in_dim3A_21 : vector<1x3200xi32> to vector<64x3200xi32>
    %lt3A_23 = arith.constant 0 : i32
    %lt3A_24 = vector.broadcast %lt3A_23 : i32 to vector<64x3200xi32>
    %lt3A_25 = arith.cmpi slt, %broadcast_in_dim3A_22, %lt3A_24 : vector<64x3200xi32>
    %add3A_26 = arith.constant 128 : i32
    %add3A_27 = vector.broadcast %add3A_26 : i32 to vector<64x3200xi32>
    %add3A_28 = arith.addi %broadcast_in_dim3A_22, %add3A_27 : vector<64x3200xi32>
    %select_n3A_29 = arith.select %lt3A_25, %add3A_28, %broadcast_in_dim3A_22 : vector<64x3200xi1>, vector<64x3200xi32>
    %reshape3A_30 = vector.shape_cast %select_n3A_29 : vector<64x3200xi32> to vector<64x3200x1xi32>
    %gather3A_31 = vector.shape_cast %reshape3A_30 : vector<64x3200x1xi32> to vector<64x3200xi32>
    %gather3A_32 = tpu.dynamic_gather %get3A_4[%gather3A_31] in [1] : vector<64x128xf32>, vector<64x3200xi32> -> vector<64x3200xf32>
    %max3A = arith.maximumf %gather3A_15, %gather3A_32 : vector<64x3200xf32>
    %get3A_33 = arith.constant 2 : index
    %get3A_34 = arith.constant 0 : index
    %get3A_35 = vector.load %arg2[%get3A_33, %get3A_34] : memref<16x3200xi32, #tpu.memory_space<vmem>>, vector<1x3200xi32>
    %get3A_36 = vector.shape_cast %get3A_35 : vector<1x3200xi32> to vector<3200xi32>
    %broadcast_in_dim3A_37 = vector.shape_cast %get3A_36 : vector<3200xi32> to vector<1x3200xi32>
    %broadcast_in_dim3A_38 = vector.shape_cast %broadcast_in_dim3A_37 : vector<1x3200xi32> to vector<1x3200xi32>
    %broadcast_in_dim3A_39 = vector.broadcast %broadcast_in_dim3A_38 : vector<1x3200xi32> to vector<64x3200xi32>
    %lt3A_40 = arith.constant 0 : i32
    %lt3A_41 = vector.broadcast %lt3A_40 : i32 to vector<64x3200xi32>
    %lt3A_42 = arith.cmpi slt, %broadcast_in_dim3A_39, %lt3A_41 : vector<64x3200xi32>
    %add3A_43 = arith.constant 128 : i32
    %add3A_44 = vector.broadcast %add3A_43 : i32 to vector<64x3200xi32>
    %add3A_45 = arith.addi %broadcast_in_dim3A_39, %add3A_44 : vector<64x3200xi32>
    %select_n3A_46 = arith.select %lt3A_42, %add3A_45, %broadcast_in_dim3A_39 : vector<64x3200xi1>, vector<64x3200xi32>
    %reshape3A_47 = vector.shape_cast %select_n3A_46 : vector<64x3200xi32> to vector<64x3200x1xi32>
    %gather3A_48 = vector.shape_cast %reshape3A_47 : vector<64x3200x1xi32> to vector<64x3200xi32>
    %gather3A_49 = tpu.dynamic_gather %get3A_4[%gather3A_48] in [1] : vector<64x128xf32>, vector<64x3200xi32> -> vector<64x3200xf32>
    %max3A_50 = arith.maximumf %max3A, %gather3A_49 : vector<64x3200xf32>
    %get3A_51 = arith.constant 3 : index
    %get3A_52 = arith.constant 0 : index
    %get3A_53 = vector.load %arg2[%get3A_51, %get3A_52] : memref<16x3200xi32, #tpu.memory_space<vmem>>, vector<1x3200xi32>
    %get3A_54 = vector.shape_cast %get3A_53 : vector<1x3200xi32> to vector<3200xi32>
    %broadcast_in_dim3A_55 = vector.shape_cast %get3A_54 : vector<3200xi32> to vector<1x3200xi32>
    %broadcast_in_dim3A_56 = vector.shape_cast %broadcast_in_dim3A_55 : vector<1x3200xi32> to vector<1x3200xi32>
    %broadcast_in_dim3A_57 = vector.broadcast %broadcast_in_dim3A_56 : vector<1x3200xi32> to vector<64x3200xi32>
    %lt3A_58 = arith.constant 0 : i32
    %lt3A_59 = vector.broadcast %lt3A_58 : i32 to vector<64x3200xi32>
    %lt3A_60 = arith.cmpi slt, %broadcast_in_dim3A_57, %lt3A_59 : vector<64x3200xi32>
    %add3A_61 = arith.constant 128 : i32
    %add3A_62 = vector.broadcast %add3A_61 : i32 to vector<64x3200xi32>
    %add3A_63 = arith.addi %broadcast_in_dim3A_57, %add3A_62 : vector<64x3200xi32>
    %select_n3A_64 = arith.select %lt3A_60, %add3A_63, %broadcast_in_dim3A_57 : vector<64x3200xi1>, vector<64x3200xi32>
    %reshape3A_65 = vector.shape_cast %select_n3A_64 : vector<64x3200xi32> to vector<64x3200x1xi32>
    %gather3A_66 = vector.shape_cast %reshape3A_65 : vector<64x3200x1xi32> to vector<64x3200xi32>
    %gather3A_67 = tpu.dynamic_gather %get3A_4[%gather3A_66] in [1] : vector<64x128xf32>, vector<64x3200xi32> -> vector<64x3200xf32>
    %max3A_68 = arith.maximumf %max3A_50, %gather3A_67 : vector<64x3200xf32>
    %get3A_69 = arith.constant 4 : index
    %get3A_70 = arith.constant 0 : index
    %get3A_71 = vector.load %arg2[%get3A_69, %get3A_70] : memref<16x3200xi32, #tpu.memory_space<vmem>>, vector<1x3200xi32>
    %get3A_72 = vector.shape_cast %get3A_71 : vector<1x3200xi32> to vector<3200xi32>
    %broadcast_in_dim3A_73 = vector.shape_cast %get3A_72 : vector<3200xi32> to vector<1x3200xi32>
    %broadcast_in_dim3A_74 = vector.shape_cast %broadcast_in_dim3A_73 : vector<1x3200xi32> to vector<1x3200xi32>
    %broadcast_in_dim3A_75 = vector.broadcast %broadcast_in_dim3A_74 : vector<1x3200xi32> to vector<64x3200xi32>
    %lt3A_76 = arith.constant 0 : i32
    %lt3A_77 = vector.broadcast %lt3A_76 : i32 to vector<64x3200xi32>
    %lt3A_78 = arith.cmpi slt, %broadcast_in_dim3A_75, %lt3A_77 : vector<64x3200xi32>
    %add3A_79 = arith.constant 128 : i32
    %add3A_80 = vector.broadcast %add3A_79 : i32 to vector<64x3200xi32>
    %add3A_81 = arith.addi %broadcast_in_dim3A_75, %add3A_80 : vector<64x3200xi32>
    %select_n3A_82 = arith.select %lt3A_78, %add3A_81, %broadcast_in_dim3A_75 : vector<64x3200xi1>, vector<64x3200xi32>
    %reshape3A_83 = vector.shape_cast %select_n3A_82 : vector<64x3200xi32> to vector<64x3200x1xi32>
    %gather3A_84 = vector.shape_cast %reshape3A_83 : vector<64x3200x1xi32> to vector<64x3200xi32>
    %gather3A_85 = tpu.dynamic_gather %get3A_4[%gather3A_84] in [1] : vector<64x128xf32>, vector<64x3200xi32> -> vector<64x3200xf32>
    %max3A_86 = arith.maximumf %max3A_68, %gather3A_85 : vector<64x3200xf32>
    %get3A_87 = arith.constant 5 : index
    %get3A_88 = arith.constant 0 : index
    %get3A_89 = vector.load %arg2[%get3A_87, %get3A_88] : memref<16x3200xi32, #tpu.memory_space<vmem>>, vector<1x3200xi32>
    %get3A_90 = vector.shape_cast %get3A_89 : vector<1x3200xi32> to vector<3200xi32>
    %broadcast_in_dim3A_91 = vector.shape_cast %get3A_90 : vector<3200xi32> to vector<1x3200xi32>
    %broadcast_in_dim3A_92 = vector.shape_cast %broadcast_in_dim3A_91 : vector<1x3200xi32> to vector<1x3200xi32>
    %broadcast_in_dim3A_93 = vector.broadcast %broadcast_in_dim3A_92 : vector<1x3200xi32> to vector<64x3200xi32>
    %lt3A_94 = arith.constant 0 : i32
    %lt3A_95 = vector.broadcast %lt3A_94 : i32 to vector<64x3200xi32>
    %lt3A_96 = arith.cmpi slt, %broadcast_in_dim3A_93, %lt3A_95 : vector<64x3200xi32>
    %add3A_97 = arith.constant 128 : i32
    %add3A_98 = vector.broadcast %add3A_97 : i32 to vector<64x3200xi32>
    %add3A_99 = arith.addi %broadcast_in_dim3A_93, %add3A_98 : vector<64x3200xi32>
    %select_n3A_100 = arith.select %lt3A_96, %add3A_99, %broadcast_in_dim3A_93 : vector<64x3200xi1>, vector<64x3200xi32>
    %reshape3A_101 = vector.shape_cast %select_n3A_100 : vector<64x3200xi32> to vector<64x3200x1xi32>
    %gather3A_102 = vector.shape_cast %reshape3A_101 : vector<64x3200x1xi32> to vector<64x3200xi32>
    %gather3A_103 = tpu.dynamic_gather %get3A_4[%gather3A_102] in [1] : vector<64x128xf32>, vector<64x3200xi32> -> vector<64x3200xf32>
    %max3A_104 = arith.maximumf %max3A_86, %gather3A_103 : vector<64x3200xf32>
    %get3A_105 = arith.constant 6 : index
    %get3A_106 = arith.constant 0 : index
    %get3A_107 = vector.load %arg2[%get3A_105, %get3A_106] : memref<16x3200xi32, #tpu.memory_space<vmem>>, vector<1x3200xi32>
    %get3A_108 = vector.shape_cast %get3A_107 : vector<1x3200xi32> to vector<3200xi32>
    %broadcast_in_dim3A_109 = vector.shape_cast %get3A_108 : vector<3200xi32> to vector<1x3200xi32>
    %broadcast_in_dim3A_110 = vector.shape_cast %broadcast_in_dim3A_109 : vector<1x3200xi32> to vector<1x3200xi32>
    %broadcast_in_dim3A_111 = vector.broadcast %broadcast_in_dim3A_110 : vector<1x3200xi32> to vector<64x3200xi32>
    %lt3A_112 = arith.constant 0 : i32
    %lt3A_113 = vector.broadcast %lt3A_112 : i32 to vector<64x3200xi32>
    %lt3A_114 = arith.cmpi slt, %broadcast_in_dim3A_111, %lt3A_113 : vector<64x3200xi32>
    %add3A_115 = arith.constant 128 : i32
    %add3A_116 = vector.broadcast %add3A_115 : i32 to vector<64x3200xi32>
    %add3A_117 = arith.addi %broadcast_in_dim3A_111, %add3A_116 : vector<64x3200xi32>
    %select_n3A_118 = arith.select %lt3A_114, %add3A_117, %broadcast_in_dim3A_111 : vector<64x3200xi1>, vector<64x3200xi32>
    %reshape3A_119 = vector.shape_cast %select_n3A_118 : vector<64x3200xi32> to vector<64x3200x1xi32>
    %gather3A_120 = vector.shape_cast %reshape3A_119 : vector<64x3200x1xi32> to vector<64x3200xi32>
    %gather3A_121 = tpu.dynamic_gather %get3A_4[%gather3A_120] in [1] : vector<64x128xf32>, vector<64x3200xi32> -> vector<64x3200xf32>
    %max3A_122 = arith.maximumf %max3A_104, %gather3A_121 : vector<64x3200xf32>
    %get3A_123 = arith.constant 7 : index
    %get3A_124 = arith.constant 0 : index
    %get3A_125 = vector.load %arg2[%get3A_123, %get3A_124] : memref<16x3200xi32, #tpu.memory_space<vmem>>, vector<1x3200xi32>
    %get3A_126 = vector.shape_cast %get3A_125 : vector<1x3200xi32> to vector<3200xi32>
    %broadcast_in_dim3A_127 = vector.shape_cast %get3A_126 : vector<3200xi32> to vector<1x3200xi32>
    %broadcast_in_dim3A_128 = vector.shape_cast %broadcast_in_dim3A_127 : vector<1x3200xi32> to vector<1x3200xi32>
    %broadcast_in_dim3A_129 = vector.broadcast %broadcast_in_dim3A_128 : vector<1x3200xi32> to vector<64x3200xi32>
    %lt3A_130 = arith.constant 0 : i32
    %lt3A_131 = vector.broadcast %lt3A_130 : i32 to vector<64x3200xi32>
    %lt3A_132 = arith.cmpi slt, %broadcast_in_dim3A_129, %lt3A_131 : vector<64x3200xi32>
    %add3A_133 = arith.constant 128 : i32
    %add3A_134 = vector.broadcast %add3A_133 : i32 to vector<64x3200xi32>
    %add3A_135 = arith.addi %broadcast_in_dim3A_129, %add3A_134 : vector<64x3200xi32>
    %select_n3A_136 = arith.select %lt3A_132, %add3A_135, %broadcast_in_dim3A_129 : vector<64x3200xi1>, vector<64x3200xi32>
    %reshape3A_137 = vector.shape_cast %select_n3A_136 : vector<64x3200xi32> to vector<64x3200x1xi32>
    %gather3A_138 = vector.shape_cast %reshape3A_137 : vector<64x3200x1xi32> to vector<64x3200xi32>
    %gather3A_139 = tpu.dynamic_gather %get3A_4[%gather3A_138] in [1] : vector<64x128xf32>, vector<64x3200xi32> -> vector<64x3200xf32>
    %max3A_140 = arith.maximumf %max3A_122, %gather3A_139 : vector<64x3200xf32>
    %get3A_141 = arith.constant 8 : index
    %get3A_142 = arith.constant 0 : index
    %get3A_143 = vector.load %arg2[%get3A_141, %get3A_142] : memref<16x3200xi32, #tpu.memory_space<vmem>>, vector<1x3200xi32>
    %get3A_144 = vector.shape_cast %get3A_143 : vector<1x3200xi32> to vector<3200xi32>
    %broadcast_in_dim3A_145 = vector.shape_cast %get3A_144 : vector<3200xi32> to vector<1x3200xi32>
    %broadcast_in_dim3A_146 = vector.shape_cast %broadcast_in_dim3A_145 : vector<1x3200xi32> to vector<1x3200xi32>
    %broadcast_in_dim3A_147 = vector.broadcast %broadcast_in_dim3A_146 : vector<1x3200xi32> to vector<64x3200xi32>
    %lt3A_148 = arith.constant 0 : i32
    %lt3A_149 = vector.broadcast %lt3A_148 : i32 to vector<64x3200xi32>
    %lt3A_150 = arith.cmpi slt, %broadcast_in_dim3A_147, %lt3A_149 : vector<64x3200xi32>
    %add3A_151 = arith.constant 128 : i32
    %add3A_152 = vector.broadcast %add3A_151 : i32 to vector<64x3200xi32>
    %add3A_153 = arith.addi %broadcast_in_dim3A_147, %add3A_152 : vector<64x3200xi32>
    %select_n3A_154 = arith.select %lt3A_150, %add3A_153, %broadcast_in_dim3A_147 : vector<64x3200xi1>, vector<64x3200xi32>
    %reshape3A_155 = vector.shape_cast %select_n3A_154 : vector<64x3200xi32> to vector<64x3200x1xi32>
    %gather3A_156 = vector.shape_cast %reshape3A_155 : vector<64x3200x1xi32> to vector<64x3200xi32>
    %gather3A_157 = tpu.dynamic_gather %get3A_4[%gather3A_156] in [1] : vector<64x128xf32>, vector<64x3200xi32> -> vector<64x3200xf32>
    %max3A_158 = arith.maximumf %max3A_140, %gather3A_157 : vector<64x3200xf32>
    %get3A_159 = arith.constant 9 : index
    %get3A_160 = arith.constant 0 : index
    %get3A_161 = vector.load %arg2[%get3A_159, %get3A_160] : memref<16x3200xi32, #tpu.memory_space<vmem>>, vector<1x3200xi32>
    %get3A_162 = vector.shape_cast %get3A_161 : vector<1x3200xi32> to vector<3200xi32>
    %broadcast_in_dim3A_163 = vector.shape_cast %get3A_162 : vector<3200xi32> to vector<1x3200xi32>
    %broadcast_in_dim3A_164 = vector.shape_cast %broadcast_in_dim3A_163 : vector<1x3200xi32> to vector<1x3200xi32>
    %broadcast_in_dim3A_165 = vector.broadcast %broadcast_in_dim3A_164 : vector<1x3200xi32> to vector<64x3200xi32>
    %lt3A_166 = arith.constant 0 : i32
    %lt3A_167 = vector.broadcast %lt3A_166 : i32 to vector<64x3200xi32>
    %lt3A_168 = arith.cmpi slt, %broadcast_in_dim3A_165, %lt3A_167 : vector<64x3200xi32>
    %add3A_169 = arith.constant 128 : i32
    %add3A_170 = vector.broadcast %add3A_169 : i32 to vector<64x3200xi32>
    %add3A_171 = arith.addi %broadcast_in_dim3A_165, %add3A_170 : vector<64x3200xi32>
    %select_n3A_172 = arith.select %lt3A_168, %add3A_171, %broadcast_in_dim3A_165 : vector<64x3200xi1>, vector<64x3200xi32>
    %reshape3A_173 = vector.shape_cast %select_n3A_172 : vector<64x3200xi32> to vector<64x3200x1xi32>
    %gather3A_174 = vector.shape_cast %reshape3A_173 : vector<64x3200x1xi32> to vector<64x3200xi32>
    %gather3A_175 = tpu.dynamic_gather %get3A_4[%gather3A_174] in [1] : vector<64x128xf32>, vector<64x3200xi32> -> vector<64x3200xf32>
    %max3A_176 = arith.maximumf %max3A_158, %gather3A_175 : vector<64x3200xf32>
    %get3A_177 = arith.constant 10 : index
    %get3A_178 = arith.constant 0 : index
    %get3A_179 = vector.load %arg2[%get3A_177, %get3A_178] : memref<16x3200xi32, #tpu.memory_space<vmem>>, vector<1x3200xi32>
    %get3A_180 = vector.shape_cast %get3A_179 : vector<1x3200xi32> to vector<3200xi32>
    %broadcast_in_dim3A_181 = vector.shape_cast %get3A_180 : vector<3200xi32> to vector<1x3200xi32>
    %broadcast_in_dim3A_182 = vector.shape_cast %broadcast_in_dim3A_181 : vector<1x3200xi32> to vector<1x3200xi32>
    %broadcast_in_dim3A_183 = vector.broadcast %broadcast_in_dim3A_182 : vector<1x3200xi32> to vector<64x3200xi32>
    %lt3A_184 = arith.constant 0 : i32
    %lt3A_185 = vector.broadcast %lt3A_184 : i32 to vector<64x3200xi32>
    %lt3A_186 = arith.cmpi slt, %broadcast_in_dim3A_183, %lt3A_185 : vector<64x3200xi32>
    %add3A_187 = arith.constant 128 : i32
    %add3A_188 = vector.broadcast %add3A_187 : i32 to vector<64x3200xi32>
    %add3A_189 = arith.addi %broadcast_in_dim3A_183, %add3A_188 : vector<64x3200xi32>
    %select_n3A_190 = arith.select %lt3A_186, %add3A_189, %broadcast_in_dim3A_183 : vector<64x3200xi1>, vector<64x3200xi32>
    %reshape3A_191 = vector.shape_cast %select_n3A_190 : vector<64x3200xi32> to vector<64x3200x1xi32>
    %gather3A_192 = vector.shape_cast %reshape3A_191 : vector<64x3200x1xi32> to vector<64x3200xi32>
    %gather3A_193 = tpu.dynamic_gather %get3A_4[%gather3A_192] in [1] : vector<64x128xf32>, vector<64x3200xi32> -> vector<64x3200xf32>
    %max3A_194 = arith.maximumf %max3A_176, %gather3A_193 : vector<64x3200xf32>
    %get3A_195 = arith.constant 11 : index
    %get3A_196 = arith.constant 0 : index
    %get3A_197 = vector.load %arg2[%get3A_195, %get3A_196] : memref<16x3200xi32, #tpu.memory_space<vmem>>, vector<1x3200xi32>
    %get3A_198 = vector.shape_cast %get3A_197 : vector<1x3200xi32> to vector<3200xi32>
    %broadcast_in_dim3A_199 = vector.shape_cast %get3A_198 : vector<3200xi32> to vector<1x3200xi32>
    %broadcast_in_dim3A_200 = vector.shape_cast %broadcast_in_dim3A_199 : vector<1x3200xi32> to vector<1x3200xi32>
    %broadcast_in_dim3A_201 = vector.broadcast %broadcast_in_dim3A_200 : vector<1x3200xi32> to vector<64x3200xi32>
    %lt3A_202 = arith.constant 0 : i32
    %lt3A_203 = vector.broadcast %lt3A_202 : i32 to vector<64x3200xi32>
    %lt3A_204 = arith.cmpi slt, %broadcast_in_dim3A_201, %lt3A_203 : vector<64x3200xi32>
    %add3A_205 = arith.constant 128 : i32
    %add3A_206 = vector.broadcast %add3A_205 : i32 to vector<64x3200xi32>
    %add3A_207 = arith.addi %broadcast_in_dim3A_201, %add3A_206 : vector<64x3200xi32>
    %select_n3A_208 = arith.select %lt3A_204, %add3A_207, %broadcast_in_dim3A_201 : vector<64x3200xi1>, vector<64x3200xi32>
    %reshape3A_209 = vector.shape_cast %select_n3A_208 : vector<64x3200xi32> to vector<64x3200x1xi32>
    %gather3A_210 = vector.shape_cast %reshape3A_209 : vector<64x3200x1xi32> to vector<64x3200xi32>
    %gather3A_211 = tpu.dynamic_gather %get3A_4[%gather3A_210] in [1] : vector<64x128xf32>, vector<64x3200xi32> -> vector<64x3200xf32>
    %max3A_212 = arith.maximumf %max3A_194, %gather3A_211 : vector<64x3200xf32>
    %get3A_213 = arith.constant 12 : index
    %get3A_214 = arith.constant 0 : index
    %get3A_215 = vector.load %arg2[%get3A_213, %get3A_214] : memref<16x3200xi32, #tpu.memory_space<vmem>>, vector<1x3200xi32>
    %get3A_216 = vector.shape_cast %get3A_215 : vector<1x3200xi32> to vector<3200xi32>
    %broadcast_in_dim3A_217 = vector.shape_cast %get3A_216 : vector<3200xi32> to vector<1x3200xi32>
    %broadcast_in_dim3A_218 = vector.shape_cast %broadcast_in_dim3A_217 : vector<1x3200xi32> to vector<1x3200xi32>
    %broadcast_in_dim3A_219 = vector.broadcast %broadcast_in_dim3A_218 : vector<1x3200xi32> to vector<64x3200xi32>
    %lt3A_220 = arith.constant 0 : i32
    %lt3A_221 = vector.broadcast %lt3A_220 : i32 to vector<64x3200xi32>
    %lt3A_222 = arith.cmpi slt, %broadcast_in_dim3A_219, %lt3A_221 : vector<64x3200xi32>
    %add3A_223 = arith.constant 128 : i32
    %add3A_224 = vector.broadcast %add3A_223 : i32 to vector<64x3200xi32>
    %add3A_225 = arith.addi %broadcast_in_dim3A_219, %add3A_224 : vector<64x3200xi32>
    %select_n3A_226 = arith.select %lt3A_222, %add3A_225, %broadcast_in_dim3A_219 : vector<64x3200xi1>, vector<64x3200xi32>
    %reshape3A_227 = vector.shape_cast %select_n3A_226 : vector<64x3200xi32> to vector<64x3200x1xi32>
    %gather3A_228 = vector.shape_cast %reshape3A_227 : vector<64x3200x1xi32> to vector<64x3200xi32>
    %gather3A_229 = tpu.dynamic_gather %get3A_4[%gather3A_228] in [1] : vector<64x128xf32>, vector<64x3200xi32> -> vector<64x3200xf32>
    %max3A_230 = arith.maximumf %max3A_212, %gather3A_229 : vector<64x3200xf32>
    %get3A_231 = arith.constant 13 : index
    %get3A_232 = arith.constant 0 : index
    %get3A_233 = vector.load %arg2[%get3A_231, %get3A_232] : memref<16x3200xi32, #tpu.memory_space<vmem>>, vector<1x3200xi32>
    %get3A_234 = vector.shape_cast %get3A_233 : vector<1x3200xi32> to vector<3200xi32>
    %broadcast_in_dim3A_235 = vector.shape_cast %get3A_234 : vector<3200xi32> to vector<1x3200xi32>
    %broadcast_in_dim3A_236 = vector.shape_cast %broadcast_in_dim3A_235 : vector<1x3200xi32> to vector<1x3200xi32>
    %broadcast_in_dim3A_237 = vector.broadcast %broadcast_in_dim3A_236 : vector<1x3200xi32> to vector<64x3200xi32>
    %lt3A_238 = arith.constant 0 : i32
    %lt3A_239 = vector.broadcast %lt3A_238 : i32 to vector<64x3200xi32>
    %lt3A_240 = arith.cmpi slt, %broadcast_in_dim3A_237, %lt3A_239 : vector<64x3200xi32>
    %add3A_241 = arith.constant 128 : i32
    %add3A_242 = vector.broadcast %add3A_241 : i32 to vector<64x3200xi32>
    %add3A_243 = arith.addi %broadcast_in_dim3A_237, %add3A_242 : vector<64x3200xi32>
    %select_n3A_244 = arith.select %lt3A_240, %add3A_243, %broadcast_in_dim3A_237 : vector<64x3200xi1>, vector<64x3200xi32>
    %reshape3A_245 = vector.shape_cast %select_n3A_244 : vector<64x3200xi32> to vector<64x3200x1xi32>
    %gather3A_246 = vector.shape_cast %reshape3A_245 : vector<64x3200x1xi32> to vector<64x3200xi32>
    %gather3A_247 = tpu.dynamic_gather %get3A_4[%gather3A_246] in [1] : vector<64x128xf32>, vector<64x3200xi32> -> vector<64x3200xf32>
    %max3A_248 = arith.maximumf %max3A_230, %gather3A_247 : vector<64x3200xf32>
    %get3A_249 = arith.constant 14 : index
    %get3A_250 = arith.constant 0 : index
    %get3A_251 = vector.load %arg2[%get3A_249, %get3A_250] : memref<16x3200xi32, #tpu.memory_space<vmem>>, vector<1x3200xi32>
    %get3A_252 = vector.shape_cast %get3A_251 : vector<1x3200xi32> to vector<3200xi32>
    %broadcast_in_dim3A_253 = vector.shape_cast %get3A_252 : vector<3200xi32> to vector<1x3200xi32>
    %broadcast_in_dim3A_254 = vector.shape_cast %broadcast_in_dim3A_253 : vector<1x3200xi32> to vector<1x3200xi32>
    %broadcast_in_dim3A_255 = vector.broadcast %broadcast_in_dim3A_254 : vector<1x3200xi32> to vector<64x3200xi32>
    %lt3A_256 = arith.constant 0 : i32
    %lt3A_257 = vector.broadcast %lt3A_256 : i32 to vector<64x3200xi32>
    %lt3A_258 = arith.cmpi slt, %broadcast_in_dim3A_255, %lt3A_257 : vector<64x3200xi32>
    %add3A_259 = arith.constant 128 : i32
    %add3A_260 = vector.broadcast %add3A_259 : i32 to vector<64x3200xi32>
    %add3A_261 = arith.addi %broadcast_in_dim3A_255, %add3A_260 : vector<64x3200xi32>
    %select_n3A_262 = arith.select %lt3A_258, %add3A_261, %broadcast_in_dim3A_255 : vector<64x3200xi1>, vector<64x3200xi32>
    %reshape3A_263 = vector.shape_cast %select_n3A_262 : vector<64x3200xi32> to vector<64x3200x1xi32>
    %gather3A_264 = vector.shape_cast %reshape3A_263 : vector<64x3200x1xi32> to vector<64x3200xi32>
    %gather3A_265 = tpu.dynamic_gather %get3A_4[%gather3A_264] in [1] : vector<64x128xf32>, vector<64x3200xi32> -> vector<64x3200xf32>
    %max3A_266 = arith.maximumf %max3A_248, %gather3A_265 : vector<64x3200xf32>
    %get3A_267 = arith.constant 15 : index
    %get3A_268 = arith.constant 0 : index
    %get3A_269 = vector.load %arg2[%get3A_267, %get3A_268] : memref<16x3200xi32, #tpu.memory_space<vmem>>, vector<1x3200xi32>
    %get3A_270 = vector.shape_cast %get3A_269 : vector<1x3200xi32> to vector<3200xi32>
    %broadcast_in_dim3A_271 = vector.shape_cast %get3A_270 : vector<3200xi32> to vector<1x3200xi32>
    %broadcast_in_dim3A_272 = vector.shape_cast %broadcast_in_dim3A_271 : vector<1x3200xi32> to vector<1x3200xi32>
    %broadcast_in_dim3A_273 = vector.broadcast %broadcast_in_dim3A_272 : vector<1x3200xi32> to vector<64x3200xi32>
    %lt3A_274 = arith.constant 0 : i32
    %lt3A_275 = vector.broadcast %lt3A_274 : i32 to vector<64x3200xi32>
    %lt3A_276 = arith.cmpi slt, %broadcast_in_dim3A_273, %lt3A_275 : vector<64x3200xi32>
    %add3A_277 = arith.constant 128 : i32
    %add3A_278 = vector.broadcast %add3A_277 : i32 to vector<64x3200xi32>
    %add3A_279 = arith.addi %broadcast_in_dim3A_273, %add3A_278 : vector<64x3200xi32>
    %select_n3A_280 = arith.select %lt3A_276, %add3A_279, %broadcast_in_dim3A_273 : vector<64x3200xi1>, vector<64x3200xi32>
    %reshape3A_281 = vector.shape_cast %select_n3A_280 : vector<64x3200xi32> to vector<64x3200x1xi32>
    %gather3A_282 = vector.shape_cast %reshape3A_281 : vector<64x3200x1xi32> to vector<64x3200xi32>
    %gather3A_283 = tpu.dynamic_gather %get3A_4[%gather3A_282] in [1] : vector<64x128xf32>, vector<64x3200xi32> -> vector<64x3200xf32>
    %max3A_284 = arith.maximumf %max3A_266, %gather3A_283 : vector<64x3200xf32>
    %transpose3A = tpu.transpose %max3A_284, [1, 0] : vector<64x3200xf32> -> vector<3200x64xf32>
    %concatenate3A = tpu.concatenate %get3A_1, %transpose3A in 1 : vector<3200x300xf32>, vector<3200x64xf32> -> vector<3200x364xf32>
    %convert_element_type3A = arith.truncf %concatenate3A : vector<3200x364xf32> to vector<3200x364xbf16>
    %get3A_285 = arith.constant 0 : index
    %get3A_286 = arith.constant 0 : index
    %get3A_287 = vector.load %arg4[%get3A_285, %get3A_286] : memref<364x768xbf16, #tpu.memory_space<vmem>>, vector<364x768xbf16>
    %dot_general3A = arith.constant dense<0.000000e+00> : vector<3200x768xf32>
    %dot_general3A_288 = tpu.matmul %convert_element_type3A, %get3A_287, %dot_general3A {dimension_numbers = #tpu.dot_dimension_numbers<[1], [0], [0], [1], [0, 0, 1, 1], [], []>, transpose_lhs_hint = false} : vector<3200x364xbf16>, vector<364x768xbf16>, vector<3200x768xf32> -> vector<3200x768xf32>
    %slice3A = vector.extract_strided_slice %dot_general3A_288 {offsets = [0, 0], sizes = [3200, 364], strides = [1, 1]} : vector<3200x768xf32> to vector<3200x364xf32>
    %get3A_289 = arith.constant 0 : index
    %get3A_290 = arith.constant 0 : index
    %get3A_291 = vector.load %arg6[%get3A_289, %get3A_290] : memref<8x364xf32, #tpu.memory_space<vmem>>, vector<1x364xf32>
    %get3A_292 = vector.shape_cast %get3A_291 : vector<1x364xf32> to vector<364xf32>
    %broadcast_in_dim3A_293 = vector.shape_cast %get3A_292 : vector<364xf32> to vector<1x364xf32>
    %add3A_294 = vector.broadcast %broadcast_in_dim3A_293 : vector<1x364xf32> to vector<3200x364xf32>
    %add3A_295 = arith.addf %slice3A, %add3A_294 : vector<3200x364xf32>
    %logistic3A = arith.negf %add3A_295 : vector<3200x364xf32>
    %logistic3A_296 = math.exp %logistic3A : vector<3200x364xf32>
    %logistic3A_297 = arith.constant 1.000000e+00 : f32
    %logistic3A_298 = vector.broadcast %logistic3A_297 : f32 to vector<3200x364xf32>
    %logistic3A_299 = arith.addf %logistic3A_298, %logistic3A_296 : vector<3200x364xf32>
    %logistic3A_300 = arith.divf %logistic3A_298, %logistic3A_299 : vector<3200x364xf32>
    %slice3A_301 = vector.extract_strided_slice %dot_general3A_288 {offsets = [0, 384], sizes = [3200, 364], strides = [1, 1]} : vector<3200x768xf32> to vector<3200x364xf32>
    %get3A_302 = arith.constant 1 : index
    %get3A_303 = arith.constant 0 : index
    %get3A_304 = vector.load %arg6[%get3A_302, %get3A_303] : memref<8x364xf32, #tpu.memory_space<vmem>>, vector<1x364xf32>
    %get3A_305 = vector.shape_cast %get3A_304 : vector<1x364xf32> to vector<364xf32>
    %broadcast_in_dim3A_306 = vector.shape_cast %get3A_305 : vector<364xf32> to vector<1x364xf32>
    %add3A_307 = vector.broadcast %broadcast_in_dim3A_306 : vector<1x364xf32> to vector<3200x364xf32>
    %add3A_308 = arith.addf %slice3A_301, %add3A_307 : vector<3200x364xf32>
    %max3A_309 = arith.constant 0.000000e+00 : f32
    %max3A_310 = vector.broadcast %max3A_309 : f32 to vector<3200x364xf32>
    %max3A_311 = arith.maximumf %add3A_308, %max3A_310 : vector<3200x364xf32>
    %sub3A = arith.subf %max3A_311, %concatenate3A : vector<3200x364xf32>
    %mul3A = arith.mulf %logistic3A_300, %sub3A : vector<3200x364xf32>
    %add3A_312 = arith.addf %concatenate3A, %mul3A : vector<3200x364xf32>
    %convert_element_type3A_313 = arith.truncf %add3A_312 : vector<3200x364xf32> to vector<3200x364xbf16>
    %get3A_314 = arith.constant 0 : index
    %get3A_315 = arith.constant 0 : index
    %get3A_316 = vector.load %arg5[%get3A_314, %get3A_315] : memref<364x768xbf16, #tpu.memory_space<vmem>>, vector<364x768xbf16>
    %dot_general3A_317 = arith.constant dense<0.000000e+00> : vector<3200x768xf32>
    %dot_general3A_318 = tpu.matmul %convert_element_type3A_313, %get3A_316, %dot_general3A_317 {dimension_numbers = #tpu.dot_dimension_numbers<[1], [0], [0], [1], [0, 0, 1, 1], [], []>, transpose_lhs_hint = false} : vector<3200x364xbf16>, vector<364x768xbf16>, vector<3200x768xf32> -> vector<3200x768xf32>
    %slice3A_319 = vector.extract_strided_slice %dot_general3A_318 {offsets = [0, 0], sizes = [3200, 364], strides = [1, 1]} : vector<3200x768xf32> to vector<3200x364xf32>
    %get3A_320 = arith.constant 2 : index
    %get3A_321 = arith.constant 0 : index
    %get3A_322 = vector.load %arg6[%get3A_320, %get3A_321] : memref<8x364xf32, #tpu.memory_space<vmem>>, vector<1x364xf32>
    %get3A_323 = vector.shape_cast %get3A_322 : vector<1x364xf32> to vector<364xf32>
    %broadcast_in_dim3A_324 = vector.shape_cast %get3A_323 : vector<364xf32> to vector<1x364xf32>
    %add3A_325 = vector.broadcast %broadcast_in_dim3A_324 : vector<1x364xf32> to vector<3200x364xf32>
    %add3A_326 = arith.addf %slice3A_319, %add3A_325 : vector<3200x364xf32>
    %logistic3A_327 = arith.negf %add3A_326 : vector<3200x364xf32>
    %logistic3A_328 = math.exp %logistic3A_327 : vector<3200x364xf32>
    %logistic3A_329 = arith.constant 1.000000e+00 : f32
    %logistic3A_330 = vector.broadcast %logistic3A_329 : f32 to vector<3200x364xf32>
    %logistic3A_331 = arith.addf %logistic3A_330, %logistic3A_328 : vector<3200x364xf32>
    %logistic3A_332 = arith.divf %logistic3A_330, %logistic3A_331 : vector<3200x364xf32>
    %slice3A_333 = vector.extract_strided_slice %dot_general3A_318 {offsets = [0, 384], sizes = [3200, 364], strides = [1, 1]} : vector<3200x768xf32> to vector<3200x364xf32>
    %get3A_334 = arith.constant 3 : index
    %get3A_335 = arith.constant 0 : index
    %get3A_336 = vector.load %arg6[%get3A_334, %get3A_335] : memref<8x364xf32, #tpu.memory_space<vmem>>, vector<1x364xf32>
    %get3A_337 = vector.shape_cast %get3A_336 : vector<1x364xf32> to vector<364xf32>
    %broadcast_in_dim3A_338 = vector.shape_cast %get3A_337 : vector<364xf32> to vector<1x364xf32>
    %add3A_339 = vector.broadcast %broadcast_in_dim3A_338 : vector<1x364xf32> to vector<3200x364xf32>
    %add3A_340 = arith.addf %slice3A_333, %add3A_339 : vector<3200x364xf32>
    %max3A_341 = arith.constant 0.000000e+00 : f32
    %max3A_342 = vector.broadcast %max3A_341 : f32 to vector<3200x364xf32>
    %max3A_343 = arith.maximumf %add3A_340, %max3A_342 : vector<3200x364xf32>
    %sub3A_344 = arith.subf %max3A_343, %add3A_312 : vector<3200x364xf32>
    %mul3A_345 = arith.mulf %logistic3A_332, %sub3A_344 : vector<3200x364xf32>
    %add3A_346 = arith.addf %add3A_312, %mul3A_345 : vector<3200x364xf32>
    %swap3A = arith.constant 0 : index
    %swap3A_347 = arith.constant 0 : index
    %swap3A_348 = vector.load %arg7[%swap3A, %swap3A_347] : memref<3200x364xf32, #tpu.memory_space<vmem>>, vector<3200x364xf32>
    tpu.vector_store %arg7[%swap3A, %swap3A_347], %add3A_346 {strides = array<i32>} : memref<3200x364xf32, #tpu.memory_space<vmem>>, vector<3200x364xf32>,
    return
  }
  func.func @transform_0(%arg0: i32) -> (i32, i32) {
    %c0_i32 = arith.constant 0 : i32
    %c0_i32_0 = arith.constant 0 : i32
    return %arg0, %c0_i32 : i32, i32
  }
  func.func @transform_1(%arg0: i32) -> (i32, i32) {
    %c0_i32 = arith.constant 0 : i32
    %c0_i32_0 = arith.constant 0 : i32
    return %c0_i32, %arg0 : i32, i32
  }
  func.func @transform_2(%arg0: i32) -> (i32, i32) {
    %c0_i32 = arith.constant 0 : i32
    %c0_i32_0 = arith.constant 0 : i32
    %c0_i32_1 = arith.constant 0 : i32
    return %c0_i32, %c0_i32_0 : i32, i32
  }
  func.func @transform_3(%arg0: i32) -> (i32, i32) {
    %c0_i32 = arith.constant 0 : i32
    %c0_i32_0 = arith.constant 0 : i32
    %c0_i32_1 = arith.constant 0 : i32
    return %c0_i32, %c0_i32_0 : i32, i32
  }
  func.func @transform_4(%arg0: i32) -> (i32, i32) {
    %c0_i32 = arith.constant 0 : i32
    %c0_i32_0 = arith.constant 0 : i32
    %c0_i32_1 = arith.constant 0 : i32
    return %c0_i32, %c0_i32_0 : i32, i32
  }
  func.func @transform_5(%arg0: i32) -> (i32, i32) {
    %c0_i32 = arith.constant 0 : i32
    %c0_i32_0 = arith.constant 0 : i32
    %c0_i32_1 = arith.constant 0 : i32
    return %c0_i32, %c0_i32_0 : i32, i32
  }
  func.func @transform_6(%arg0: i32) -> (i32, i32) {
    %c0_i32 = arith.constant 0 : i32
    %c0_i32_0 = arith.constant 0 : i32
    return %arg0, %c0_i32 : i32, i32
  }
}

</mosaic_0001>

<sc_bundles>
// kernel: kernel.11.cloned.1.call-start
scs
__scs_entry_jumppad:
0x0: {  	(pc) =	sbr.rel $0x88, $3  }
0x1: {  	(tag) =	ssettag $0x0;
	lr =	simm.s32 $0x1  }
0x2: {  	[smem:$0x3F95] =	sst lr;
	_ =	strace $0xD0000000  }
0x3: {  	_ = 	snop  }
0x4: {  	_ = 	snop  }
0x5: {  	_ = 	snop  }
0x6: {  	_ = 	snop  }
0x7: {  	_ = 	snop  }
__scs_overlays_trampoline_lowered:
0x8: {  	[smem:$0x3FA4] =	sst s0  }
0x9: {  	[smem:$0x3FA5] =	sst s1  }
0xa: {  	[smem:$0x3FA6] =	sst s2  }
0xb: {  	[smem:$0x3FA7] =	sst s3  }
0xc: {  	[smem:$0x3FA8] =	sst s4  }
0xd: {  	[smem:$0x3FA9] =	sst s5  }
0xe: {  	[smem:$0x3FAA] =	sst s6  }
0xf: {  	[smem:$0x3FAB] =	sst s7  }
0x10: {  	[smem:$0x3FAC] =	sst s8  }
0x11: {  	[smem:$0x3FAD] =	sst s9;
	s0 =	simm.s32 @!p0 $0x0  }
0x12: {  	s1 =	sld [smem:$0x3F93];
	s0 =	simm.s32 @p0 $0x1  }
0x13: {  	[smem:$0x3FAE] =	sst s0;
	s0 =	simm.s32 @!p1 $0x0  }
0x14: {  	s2 =	sld [smem:$0x3F92];
	s0 =	simm.s32 @p1 $0x1  }
0x15: {  	[smem:$0x3FAF] =	sst s0;
	s0 =	simm.s32 @!p2 $0x0  }
0x16: {  	s3 =	sld [smem:$0x3FDB];
	s0 =	simm.s32 @p2 $0x1  }
0x17: {  	s4 =	simm.s32 $0x1BF5;
	[smem:$0x3FB1] =	sst s0  }
0x18: {  	s0 =	sld [smem:$0x3F94];
	_ =	swait.ge [sflag:s4], $0x0  }
0x19: {  	s7 =	sld [smem:$0x3F95]  }
0x1a: {  	s8 =	sadd.s32 $0xFFFFE003, lr  }
0x1b: {  	s9 =	sadd.s32 $0xFFFFFEF7, lr;
	s5 =	simm.s32 $0xFFFFFFFF;
	p2 =	slt.u32 s8, $0xFFFFF086  }
0x1c: {  	p1 =	slt.u32 s9, $0xF7A;
	s5 =	simm.s32 @!p2 $0x0  }
0x1d: {  	s5 =	simm.s32 @p1 $0x1;
	p0 =	seq.s32 s7, s2  }
0x1e: {  	s7 =	smul.u32 @!p0 $0xF7A, s2;
	p2 =	seq.s32 @!p0 s5, $0x0  }
0x1f: {  	s9 =	smul.u32 $0xF7A, s1;
	s8 =	simm.s32 @!p0 $0x1BF5;
	p2 =	por !p2, p0  }
0x20: {  	[sflag:s8] =	ssyncset.s32 @!p0 $0xFFFFF086;
	s6 =	sadd.s32 @!p0 s3, s7;
	s7 =	simm.s32 @!p0 $0x108  }
0x21: {  	s3 =	sadd.s32 s3, s9;
	s6 =	sadd.s32 @!p0 $0x88, s6;
	s7 =	simm.s32 @p2 $0x1082  }
0x22: {  	[simem:s7], [sflag:s8] =	dma.local @!p0 [hbm:s6], $0xF7A  }
0x23: {  	s9 =	sor.u32 $0xD0000000, s2;
	s6 =	simm.s32 $0x108;
	_ =	swait.ge @!p0 [sflag:s8], $0x0  }
0x24: {  	s3 =	sadd.s32 $0x88, s3;
	s6 =	simm.s32 @!p1 $0x1082;
	[sflag:s4] =	ssyncset.s32 $0xFFFFF086  }
0x25: {  	[simem:s6], [sflag:s4] =	dma.local [hbm:s3], $0xF7A  }
0x26: {  	[smem:$0x3F95] =	sst s1;
	(tag) =	ssettag s2;
	_ =	strace s9  }
0x27: {  	s1 =	sld [smem:$0x3FA5]  }
0x28: {  	s2 =	sld [smem:$0x3FA6]  }
0x29: {  	s4 =	sld [smem:$0x3FA8]  }
0x2a: {  	p0 =	seq.s32 s5, $0x0;
	s5 =	sld [smem:$0x3FA9]  }
0x2b: {  	s6 =	sld [smem:$0x3FAA]  }
0x2c: {  	s7 =	sld [smem:$0x3FAB]  }
0x2d: {  	s3 =	simm.s32 $0x108;
	s8 =	sld [smem:$0x3FAC]  }
0x2e: {  	s3 =	simm.s32 @!p0 $0x1082;
	s9 =	sld [smem:$0x3FAD]  }
0x2f: {  	lr =	sadd.s32 s0, s3;
	s0 =	sld [smem:$0x3FA4]  }
0x30: {  	s3 =	sld [smem:$0x3FA7]  }
0x31: {  	[smem:$0x3FB0] =	sst s10  }
0x32: {  	s10 =	sld [smem:$0x3FAE];
	_ =	sdelay $0x3  }
0x33: {  	p0 =	seq.s32 s10, $0x1;
	s10 =	sld [smem:$0x3FB0];
	_ =	sdelay $0x3  }
0x34: {  	[smem:$0x3FB0] =	sst s10  }
0x35: {  	s10 =	sld [smem:$0x3FAF];
	_ =	sdelay $0x3  }
0x36: {  	p1 =	seq.s32 s10, $0x1;
	s10 =	sld [smem:$0x3FB0];
	_ =	sdelay $0x3  }
0x37: {  	[smem:$0x3FB0] =	sst s10  }
0x38: {  	s10 =	sld [smem:$0x3FB1]  }
0x39: {  	_ = 	snop;
	(pc) =	sbr.ind lr, $3  }
0x3a: {  	_ = 	snop  }
0x3b: {  	_ = 	snop  }
0x3c: {  	p2 =	seq.s32 s10, $0x1;
	s10 =	sld [smem:$0x3FB0]  }
0x3d: {  	_ =	shalt  }
0x3e: {  	_ =	shalt  }
0x3f: {  	_ =	shalt  }
0x40: {  	_ =	shalt  }
0x41: {  	_ =	shalt  }
0x42: {  	_ =	shalt  }
0x43: {  	_ =	shalt  }
0x44: {  	_ =	shalt  }
0x45: {  	_ =	shalt  }
0x46: {  	_ =	shalt  }
0x47: {  	_ =	shalt  }
0x48: {  	_ =	shalt  }
0x49: {  	_ =	shalt  }
0x4a: {  	_ =	shalt  }
0x4b: {  	_ =	shalt  }
0x4c: {  	_ =	shalt  }
0x4d: {  	_ =	shalt  }
0x4e: {  	_ =	shalt  }
0x4f: {  	_ =	shalt  }
0x50: {  	_ =	shalt  }
0x51: {  	_ =	shalt  }
0x52: {  	_ =	shalt  }
0x53: {  	_ =	shalt  }
0x54: {  	_ =	shalt  }
0x55: {  	_ =	shalt  }
0x56: {  	_ =	shalt  }
0x57: {  	_ =	shalt  }
0x58: {  	_ =	shalt  }
0x59: {  	_ =	shalt  }
0x5a: {  	_ =	shalt  }
0x5b: {  	_ =	shalt  }
0x5c: {  	_ =	shalt  }
0x5d: {  	_ =	shalt  }
0x5e: {  	_ =	shalt  }
0x5f: {  	_ =	shalt  }
0x60: {  	_ =	shalt  }
0x61: {  	_ =	shalt  }
0x62: {  	_ =	shalt  }
0x63: {  	_ =	shalt  }
0x64: {  	_ =	shalt  }
0x65: {  	_ =	shalt  }
0x66: {  	_ =	shalt  }
0x67: {  	_ =	shalt  }
0x68: {  	_ =	shalt  }
0x69: {  	_ =	shalt  }
0x6a: {  	_ =	shalt  }
0x6b: {  	_ =	shalt  }
0x6c: {  	_ =	shalt  }
0x6d: {  	_ =	shalt  }
0x6e: {  	_ =	shalt  }
0x6f: {  	_ =	shalt  }
0x70: {  	_ =	shalt  }
0x71: {  	_ =	shalt  }
0x72: {  	_ =	shalt  }
0x73: {  	_ =	shalt  }
0x74: {  	_ =	shalt  }
0x75: {  	_ =	shalt  }
0x76: {  	_ =	shalt  }
0x77: {  	_ =	shalt  }
0x78: {  	_ =	shalt  }
0x79: {  	_ =	shalt  }
0x7a: {  	_ =	shalt  }
0x7b: {  	_ =	shalt  }
0x7c: {  	_ =	shalt  }
0x7d: {  	_ =	shalt  }
0x7e: {  	_ =	shalt  }
0x7f: {  	_ =	shalt  }
0x80: {  	_ =	shalt  }
0x81: {  	_ =	shalt  }
0x82: {  	_ =	shalt  }
0x83: {  	_ =	shalt  }
0x84: {  	_ =	shalt  }
0x85: {  	_ =	shalt  }
0x86: {  	_ =	shalt  }
0x87: {  	_ =	shalt  }
.Lfunc_end0:
.L_simem_size_0:
called_computation.1_lowered:
.L_overlay_start_0:
0x88: {  	s2 =	sld [smem:$0x3FD9]  }
0x89: {  	s3 =	sld [smem:$0x3FFE];
	_ =	sdelay $0x1  }
0x8a: {  	s1 =	srdreg.scid  }
0x8b: {  	s0 =	sand.u32 $0x1, s1  }
0x8c: {  	s17 =	sshll.u32 s0, $0xA;
	s2 =	sadd.s32 s3, s2  }
0x8d: {  	s2 =	sadd.s32 s2, s17  }
0x8e: {  	[smem:$0x3FBC] =	sst s2  }
0x8f: {  	_ = 	snop  }
0x90: {  	(tm) =	ssettm $0x1  }
0x91: {  	s18 =	sld [smem:$0x3FFB];
	_ =	sdelay $0x3  }
0x92: {  	_ =	strace s18  }
0x93: {  	s2 =	sld [smem:$0x3FFC];
	_ =	sdelay $0x3  }
0x94: {  	_ =	strace s2  }
0x95: {  	s2 =	sld [smem:$0x3FFD];
	_ =	sdelay $0x3  }
0x96: {  	_ =	strace s2  }
0x97: {  	_ =	strace $0x8FFFFFFF  }
0x98: {  	s19 =	sld [smem:$0x3FDB];
	_ =	sdelay $0x1  }
0x99: {  	s20 =	simm.s32 $_scs_section_size  }
0x9a: {  	s4 =	simm.s32 $_size__tile_overlayer_lowered;
	s5 =	simm.s32 $_tile_overlayer_lowered  }
0x9b: {  	s6 =	simm.s32 $0x1BFF;
	s21 =	sshll.u32 s5, $0x1;
	s3 =	sadd.s32 s20, s19  }
0x9c: {  	s22 =	simm.s32 $0x0;
	s4 =	sshll.u32 s4, $0x1;
	s5 =	sadd.s32 s21, s3  }
0x9d: {  	[timem:s22], [sflag:s6] =	dma.local [hbm:s5], s4  }
0x9e: {  	_ =	swait.ge [sflag:s6], s4  }
0x9f: {  	s4 =	ssub.s32 $0x0, s4;
	[sflag:s6] =	ssyncset.done $0x0  }
0xa0: {  	[sflag:s6] =	ssyncadd.s32 s4;
	_ =	sdelay $0x1  }
0xa1: {  	s23 =	simm.s32 $0x1B8B  }
0xa2: {  	_ =	swait.ge [sflag:s23], $0x1  }
0xa3: {  	[sflag:s23] =	ssyncset.done $0x0  }
0xa4: {  	[sflag:s23] =	ssyncadd.s32 $0xFFFFFFFF  }
0xa5: {  	s4 =	sld [smem:$0x0]  }
0xa6: {  	s5 =	sand.u32 $0xFFFFFFFE, s1  }
0xa7: {  	p0 =	sne.s32 s1, s5  }
0xa8: {  	s5 =	sshll.u32 @p0 s5, $0xE  }
0xa9: {  	s5 =	sadd.s32 @p0 $0x11B8D, s5;
	s6 =	sshll.u32 @p0 s4, $0x11  }
0xaa: {  	s5 =	sor.u32 @p0 s6, s5  }
0xab: {  	[sflag:s5] =	ssyncadd.remote.s32 @p0 $0x1;
	_ =	sdelay $0x1  }
0xac: {  	s5 =	simm.s32 @p0 $0x1B8D  }
0xad: {  	_ =	swait.eq @p0 [sflag:s5], $0x1  }
0xae: {  	[sflag:s5] =	ssyncadd.s32 @p0 $0xFFFFFFFF  }
0xaf: {  	s6 =	sshll.u32 @!p0 s1, $0xE  }
0xb0: {  	s6 =	sor.u32 @!p0 $0x4000, s6;
	s5 =	simm.s32 @!p0 $0x1B8D  }
0xb1: {  	s4 =	sshll.u32 @!p0 s4, $0x11;
	s6 =	sadd.s32 @!p0 $0x11B8D, s6;
	_ =	swait.eq @!p0 [sflag:s5], $0x1  }
0xb2: {  	s4 =	sor.u32 @!p0 s4, s6;
	[sflag:s5] =	ssyncadd.s32 @!p0 $0xFFFFFFFF  }
0xb3: {  	s25 =	simm.s32 $0x1B8E;
	s24 =	sld [smem:$0x3FFE];
	[sflag:s4] =	ssyncadd.remote.s32 @!p0 $0x1  }
0xb4: {  	s26 =	simm.s32 $execute0_lowered;
	[smem:$0x3FD2] =	sst s25  }
0xb5: {  	s5 =	sshll.u32 s26, $0x1;
	_ =	strace $0x8000004F;
	[dreg:$0x1] =	wrdreg $0xFFFFFFFF  }
0xb6: {  	s28 =	simm.s32 $_size_execute0_lowered;
	s3 =	sadd.s32 s3, s5;
	[dreg:$0x0] =	wrdreg $0x0  }
0xb7: {  	s5 =	sshll.u32 s28, $0x1;
	[dreg:$0x2] =	wrdreg s3  }
0xb8: {  	[dreg:$0x3] =	wrdreg s5  }
0xb9: {  	[dreg:$0x4] =	wrdreg $0xC0  }
0xba: {  	_ =	task [dreg:s22], $0x5FFFF  }
0xbb: {  	[dreg:$0x1] =	wrdreg $0xFFFFFFFF  }
0xbc: {  	[dreg:$0x0] =	wrdreg $0x60  }
0xbd: {  	[dreg:$0x2] =	wrdreg s24  }
0xbe: {  	[dreg:$0x3] =	wrdreg $0x9  }
0xbf: {  	_ =	task.clear_ibuf [dreg:s22], $0x4FFFF;
	_ =	strace $0x9000004F  }
0xc0: {  	s29 =	simm.s32 $0x9;
	_ =	strace $0x80000051  }
0xc1: {  	_ =	swait.ge [sflag:s29], $0x1  }
0xc2: {  	[sflag:s29] =	ssyncadd.s32 $0xFFFFFFFF  }
0xc3: {  	_ =	strace $0x90000051  }
0xc4: {  	_ =	sfence  }
0xc5: {  	s30 =	sld [smem:$0x0];
	_ =	sdelay $0x2  }
0xc6: {  	s31 =	sshll.u32 s1, $0xD;
	s1 =	sshrl.u32 s1, $0x2  }
0xc7: {  	s4 =	sand.u32 $0x4000, s31;
	s1 =	sadd.s32 s1, s30  }
0xc8: {  	s0 =	sor.u32 s4, s0;
	s1 =	sshll.u32 s1, $0x11  }
0xc9: {  	s0 =	sor.u32 s1, s0  }
0xca: {  	s0 =	sadd.s32 $0x8F2B, s0  }
0xcb: {  	[sflag:s0] =	ssyncadd.remote.s32 $0x1  }
0xcc: {  	_ =	sfence.sel $0xFFFF  }
0xcd: {  	[dreg:$0x0] =	wrdreg $0xFFFFFFFF;
	(pc) =	sbr.abs _section_cstart, $3  }
0xce: {  	[dreg:$0x1] =	wrdreg $0xFFFFFFFF  }
0xcf: {  	_ =	task.clear_ibuf [dreg:s22], $0x2FFFF;
	_ =	strace $0x9FFFFFFF  }
0xd0: {  	(tm) =	ssettm $0x7FFFFFFF  }
0xd1: {  	_ =	shalt  }
tec
execute0_lowered:
.L_overlay_start_1:
0x0: {  	(tag) =	ssettag $0x1  }
0x1: {  	s1 =	srdreg.scid  }
0x2: {  	s0 =	stileid.u32;
	s6 =	rddreg [dreg:$0x0]  }
0x3: {  	s2 =	simm.s32 $0x0;
	s10 =	simm.s32 $0x880;
	s11 =	simm.s32 $0xC80  }
0x4: {  	s12 =	simm.s32 $0x1480;
	s13 =	simm.s32 $0x1880;
	s14 =	simm.s32 $0x2080  }
0x5: {  	s15 =	simm.s32 $0x2480;
	s16 =	simm.s32 $0x2C80;
	s17 =	simm.s32 $0x3080  }
0x6: {  	s18 =	simm.s32 $0x3880;
	s19 =	simm.s32 $0x3C80;
	s20 =	simm.s32 $0x4480  }
0x7: {  	s21 =	simm.s32 $0x4880;
	s3 =	sand.u32 $0x1, s1;
	s4 =	smul.u32 $0xC80, s0  }
0x8: {  	s22 =	simm.s32 $0x5080;
	s23 =	simm.s32 $0x5480;
	s5 =	smul.u32 $0x640, s3  }
0x9: {  	s24 =	simm.s32 $0x5C80;
	s25 =	simm.s32 $0x1;
	s26 =	simm.s32 $0x0  }
0xa: {  	s1 =	rddreg [dreg:$0x1];
	s31 =	ssub.s32 $0x2, s3;
	s4 =	sadd.s32 s5, s4  }
0xb: {  	[smem:$0x7FF] =	sst s2;
	s8 =	sshrl.u32 s31, $0x1;
	s4 =	sshrl.u32 s4, $0x3  }
0xc: {  	_ =	strace $0x80000050;
	s5 =	ssub.s32 s31, s8;
	s7 =	smul.u32 $0x180, s4  }
0xd: {  	v2 =	vlaneseq.u32;
	s3 =	sadd.s32 $0x7E00, s6;
	s8 =	simm.s32 $0x2;
	s5 =	smax.u32 s5, $0x1  }
0xe: {  	vm0 =	vmmov $0xffff;
	vm1 =	vmmov $0xff;
	v1 =	vshrl.u32 v2, $0x3;
	s9 =	sadd.s32 s4, s6;
	s4 =	sadd.s32 $0x7F00, s6;
	s7 =	sadd.s32 s7, s6  }
0xf: {  	v0 =	vand.u32 $0x7, v2;
	v2 =	vor.u32 $0x8, v2;
	v1 =	vmul.u32 $0x8, v1;
	s6 =	sadd.s32 $0xBA5600, s7;
	s7 =	sadd.s32 $0xBA3C00, s9;
	s9 =	simm.s32 $0x80  }
.LBB2_1:
0x10: {  	s28 =	simm.s32 $0x0;
	s29 =	smov.u32 s6  }
.LBB2_2:
0x11: {  	s30 =	sadd.s32 s28, s7  }
0x12: {  	[tilespmem:s2], [sflag:$0x2] =	stream.linear.gather [hbm4b:s30+s2], $0x40, $0x38;
	[tilespmem:$0x6080] =	vst v63  }
0x13: {  	_ =	swait.ge [sflag:s8], $0x40  }
0x14: {  	[sflag:s8] =	ssyncset.done $0x0  }
0x15: {  	[sflag:s8] =	ssyncadd.s32 $0xFFFFFFC0  }
0x16: {  	v3 =	vld [tilespmem:$0x0];
	_ =	sdelay $0x4  }
0x17: {  	v4 =	vshrl.u32 v3, $0x3  }
0x18: {  	v4 =	vmul.u32 $0x18, v4  }
0x19: {  	v3 =	vand.u32 $0x7, v3  }
0x1a: {  	v3 =	vor.u32 v3, v4  }
0x1b: {  	v4 =	vperm.xlane v3, v0;
	_ =	sdelay $0x1  }
0x1c: {  	v4 =	vadd.s32 v1, v4;
	_ =	sdelay $0x1  }
0x1d: {  	v3 =	vperm.xlane v3, v2;
	_ =	sdelay $0x1  }
0x1e: {  	v3 =	vadd.s32 v1, v3  }
0x1f: {  	[tilespmem:s9], [sflag:$0x1] =	stream.indirect_vreg.gather [hbm4b:s3+s2], $0x80, v4, vm0, $0xb8;
	[tilespmem:$0x6080] =	vst v63  }
0x20: {  	_ = 	snop  }
0x21: {  	[tilespmem:s10], [sflag:$0x1] =	stream.indirect_vreg.gather [hbm4b:s4+s2], $0x80, v4, vm1, $0xb8;
	[tilespmem:$0x6080] =	vst v63  }
0x22: {  	_ = 	snop  }
0x23: {  	[tilespmem:s11], [sflag:$0x1] =	stream.indirect_vreg.gather [hbm4b:s3+s2], $0x80, v3, vm0, $0xb8;
	[tilespmem:$0x6080] =	vst v63  }
0x24: {  	_ = 	snop  }
0x25: {  	[tilespmem:s12], [sflag:$0x1] =	stream.indirect_vreg.gather [hbm4b:s4+s2], $0x80, v3, vm1, $0xb8;
	[tilespmem:$0x6080] =	vst v63  }
0x26: {  	v3 =	vld [tilespmem:$0x10];
	_ =	sdelay $0x4  }
0x27: {  	v61 =	vshrl.u32 v3, $0x3  }
0x28: {  	v4 =	vmul.u32 $0x18, v61  }
0x29: {  	v3 =	vand.u32 $0x7, v3  }
0x2a: {  	v3 =	vor.u32 v3, v4  }
0x2b: {  	v4 =	vperm.xlane v3, v0;
	_ =	sdelay $0x1  }
0x2c: {  	v4 =	vadd.s32 v1, v4;
	_ =	sdelay $0x1  }
0x2d: {  	v3 =	vperm.xlane v3, v2;
	_ =	sdelay $0x1  }
0x2e: {  	v3 =	vadd.s32 v1, v3  }
0x2f: {  	[tilespmem:s13], [sflag:$0x1] =	stream.indirect_vreg.gather [hbm4b:s3+s2], $0x80, v4, vm0, $0xb8;
	[tilespmem:$0x6080] =	vst v63  }
0x30: {  	_ = 	snop  }
0x31: {  	[tilespmem:s14], [sflag:$0x1] =	stream.indirect_vreg.gather [hbm4b:s4+s2], $0x80, v4, vm1, $0xb8;
	[tilespmem:$0x6080] =	vst v63  }
0x32: {  	_ = 	snop  }
0x33: {  	[tilespmem:s15], [sflag:$0x1] =	stream.indirect_vreg.gather [hbm4b:s3+s2], $0x80, v3, vm0, $0xb8;
	[tilespmem:$0x6080] =	vst v63  }
0x34: {  	_ = 	snop  }
0x35: {  	[tilespmem:s16], [sflag:$0x1] =	stream.indirect_vreg.gather [hbm4b:s4+s2], $0x80, v3, vm1, $0xb8;
	[tilespmem:$0x6080] =	vst v63  }
0x36: {  	v3 =	vld [tilespmem:$0x20];
	_ =	sdelay $0x4  }
0x37: {  	v62 =	vshrl.u32 v3, $0x3  }
0x38: {  	v4 =	vmul.u32 $0x18, v62  }
0x39: {  	v3 =	vand.u32 $0x7, v3  }
0x3a: {  	v3 =	vor.u32 v3, v4  }
0x3b: {  	v4 =	vperm.xlane v3, v0;
	_ =	sdelay $0x1  }
0x3c: {  	v4 =	vadd.s32 v1, v4;
	_ =	sdelay $0x1  }
0x3d: {  	v3 =	vperm.xlane v3, v2;
	_ =	sdelay $0x1  }
0x3e: {  	v3 =	vadd.s32 v1, v3  }
0x3f: {  	[tilespmem:s17], [sflag:$0x1] =	stream.indirect_vreg.gather [hbm4b:s3+s2], $0x80, v4, vm0, $0xb8;
	[tilespmem:$0x6080] =	vst v63  }
0x40: {  	_ = 	snop  }
0x41: {  	[tilespmem:s18], [sflag:$0x1] =	stream.indirect_vreg.gather [hbm4b:s4+s2], $0x80, v4, vm1, $0xb8;
	[tilespmem:$0x6080] =	vst v63  }
0x42: {  	_ = 	snop  }
0x43: {  	[tilespmem:s19], [sflag:$0x1] =	stream.indirect_vreg.gather [hbm4b:s3+s2], $0x80, v3, vm0, $0xb8;
	[tilespmem:$0x6080] =	vst v63  }
0x44: {  	_ = 	snop  }
0x45: {  	[tilespmem:s20], [sflag:$0x1] =	stream.indirect_vreg.gather [hbm4b:s4+s2], $0x80, v3, vm1, $0xb8;
	[tilespmem:$0x6080] =	vst v63  }
0x46: {  	v3 =	vld [tilespmem:$0x30];
	_ =	sdelay $0x4  }
0x47: {  	v63 =	vshrl.u32 v3, $0x3  }
0x48: {  	v4 =	vmul.u32 $0x18, v63  }
0x49: {  	v3 =	vand.u32 $0x7, v3  }
0x4a: {  	v3 =	vor.u32 v3, v4  }
0x4b: {  	v4 =	vperm.xlane v3, v0;
	_ =	sdelay $0x1  }
0x4c: {  	v4 =	vadd.s32 v1, v4;
	_ =	sdelay $0x1  }
0x4d: {  	v3 =	vperm.xlane v3, v2;
	_ =	sdelay $0x1  }
0x4e: {  	v3 =	vadd.s32 v1, v3  }
0x4f: {  	[tilespmem:s21], [sflag:$0x1] =	stream.indirect_vreg.gather [hbm4b:s3+s2], $0x80, v4, vm0, $0xb8;
	[tilespmem:$0x6080] =	vst v63  }
0x50: {  	_ = 	snop  }
0x51: {  	[tilespmem:s22], [sflag:$0x1] =	stream.indirect_vreg.gather [hbm4b:s4+s2], $0x80, v4, vm1, $0xb8;
	[tilespmem:$0x6080] =	vst v63  }
0x52: {  	_ = 	snop  }
0x53: {  	[tilespmem:s23], [sflag:$0x1] =	stream.indirect_vreg.gather [hbm4b:s3+s2], $0x80, v3, vm0, $0xb8;
	[tilespmem:$0x6080] =	vst v63  }
0x54: {  	_ = 	snop  }
0x55: {  	[tilespmem:s24], [sflag:$0x1] =	stream.indirect_vreg.gather [hbm4b:s4+s2], $0x80, v3, vm1, $0xb8;
	[tilespmem:$0x6080] =	vst v63  }
0x56: {  	_ =	swait.ge [sflag:s25], $0x6000  }
0x57: {  	p0 =	sne.s32 s28, $0xC0;
	[sflag:s25] =	ssyncset.done $0x0  }
.Ltmp0:
0x58: {  	[sflag:s25] =	ssyncadd.s32 $0xFFFFA000;
	(pc) =	sbr.rel @p0 .LBB2_2-.Ltmp0, $4  }
0x59: {  	[hbm4b:s29+s2] =	stream.linear.scatter [tilespmem:s9], [sflag:$0x2], $0x6000, $0x38;
	[tilespmem:$0x6080] =	vst v63  }
0x5a: {  	_ =	swait.ge [sflag:s8], $0x6000  }
0x5b: {  	[sflag:s8] =	ssyncset.done $0x0  }
0x5c: {  	s28 =	sadd.s32 $0x8, s28;
	s29 =	sadd.s32 $0xC00, s29;
	[sflag:s8] =	ssyncadd.s32 $0xFFFFA000  }
0x5d: {  	s26 =	sadd.s32 $0x1, s26  }
0x5e: {  	p0 =	sne.s32 s26, s5  }
.Ltmp1:
0x5f: {  	_ = 	snop;
	(pc) =	sbr.rel @p0 .LBB2_1-.Ltmp1, $1  }
0x60: {  	_ =	sdelay $0x3  }
0x61: {  	_ =	sfence.sel $0x180000  }
0x62: {  	[bflag:$0x0] =	sbarrier.arrive $0xFFFF  }
0x63: {  	p0 =	sne.s32 s0, $0x0;
	_ =	strace $0x90000050  }
0x64: {  	s0 =	sadd.s32 @!p0 $0x100000, s1;
	[bflag:$0x2] =	sbarrier.arrive $0xFFFF  }
0x65: {  	[sflag:s0] =	ssyncadd.tile.s32 @!p0 $0x1;
	_ =	shalt  }
.Lfunc_end2:
_tile_overlayer_lowered:
.L_overlay_start_2:
0x66: {  	(tag) =	ssettag $0x2  }
0x67: {  	s0 =	rddreg [dreg:$0x0];
	s2 =	stileid.u32  }
0x68: {  	s1 =	rddreg [dreg:$0x1];
	p0 =	sne.s32 s2, $0x0  }
0x69: {  	s3 =	rddreg [dreg:$0x2];
	[bflag:$0x3] =	sbarrier.arrive $0xFFFF;
	s2 =	simm.s32 @!p0 $0x1C02  }
0x6a: {  	[timem:s3], [sflag:s2] =	dma.local @!p0 [hbm:s0], s1  }
0x6b: {  	s0 =	simm.s32 @!p0 $0x2  }
0x6c: {  	_ =	swait.ge @!p0 [sflag:s0], s1  }
0x6d: {  	s1 =	ssub.s32 @!p0 $0x0, s1;
	[sflag:s0] =	ssyncset.done @!p0 $0x0  }
0x6e: {  	[sflag:s0] =	ssyncadd.s32 @!p0 s1  }
0x6f: {  	[bflag:$0x3] =	sbarrier.arrive $0xFFFF  }
0x70: {  	_ =	shalt  }

// kernel: kernel.14.cloned.1.call-start
scs
__scs_entry_jumppad:
0x0: {  	(pc) =	sbr.rel $0x88, $3  }
0x1: {  	(tag) =	ssettag $0x0;
	lr =	simm.s32 $0x1  }
0x2: {  	[smem:$0x3F95] =	sst lr;
	_ =	strace $0xD0000000  }
0x3: {  	_ = 	snop  }
0x4: {  	_ = 	snop  }
0x5: {  	_ = 	snop  }
0x6: {  	_ = 	snop  }
0x7: {  	_ = 	snop  }
__scs_overlays_trampoline_lowered:
0x8: {  	[smem:$0x3FA4] =	sst s0  }
0x9: {  	[smem:$0x3FA5] =	sst s1  }
0xa: {  	[smem:$0x3FA6] =	sst s2  }
0xb: {  	[smem:$0x3FA7] =	sst s3  }
0xc: {  	[smem:$0x3FA8] =	sst s4  }
0xd: {  	[smem:$0x3FA9] =	sst s5  }
0xe: {  	[smem:$0x3FAA] =	sst s6  }
0xf: {  	[smem:$0x3FAB] =	sst s7  }
0x10: {  	[smem:$0x3FAC] =	sst s8  }
0x11: {  	[smem:$0x3FAD] =	sst s9;
	s0 =	simm.s32 @!p0 $0x0  }
0x12: {  	s1 =	sld [smem:$0x3F93];
	s0 =	simm.s32 @p0 $0x1  }
0x13: {  	[smem:$0x3FAE] =	sst s0;
	s0 =	simm.s32 @!p1 $0x0  }
0x14: {  	s2 =	sld [smem:$0x3F92];
	s0 =	simm.s32 @p1 $0x1  }
0x15: {  	[smem:$0x3FAF] =	sst s0;
	s0 =	simm.s32 @!p2 $0x0  }
0x16: {  	s3 =	sld [smem:$0x3FDB];
	s0 =	simm.s32 @p2 $0x1  }
0x17: {  	s4 =	simm.s32 $0x1BF5;
	[smem:$0x3FB1] =	sst s0  }
0x18: {  	s0 =	sld [smem:$0x3F94];
	_ =	swait.ge [sflag:s4], $0x0  }
0x19: {  	s7 =	sld [smem:$0x3F95]  }
0x1a: {  	s8 =	sadd.s32 $0xFFFFE003, lr  }
0x1b: {  	s9 =	sadd.s32 $0xFFFFFEF7, lr;
	s5 =	simm.s32 $0xFFFFFFFF;
	p2 =	slt.u32 s8, $0xFFFFF086  }
0x1c: {  	p1 =	slt.u32 s9, $0xF7A;
	s5 =	simm.s32 @!p2 $0x0  }
0x1d: {  	s5 =	simm.s32 @p1 $0x1;
	p0 =	seq.s32 s7, s2  }
0x1e: {  	s7 =	smul.u32 @!p0 $0xF7A, s2;
	p2 =	seq.s32 @!p0 s5, $0x0  }
0x1f: {  	s9 =	smul.u32 $0xF7A, s1;
	s8 =	simm.s32 @!p0 $0x1BF5;
	p2 =	por !p2, p0  }
0x20: {  	[sflag:s8] =	ssyncset.s32 @!p0 $0xFFFFF086;
	s6 =	sadd.s32 @!p0 s3, s7;
	s7 =	simm.s32 @!p0 $0x108  }
0x21: {  	s3 =	sadd.s32 s3, s9;
	s6 =	sadd.s32 @!p0 $0x88, s6;
	s7 =	simm.s32 @p2 $0x1082  }
0x22: {  	[simem:s7], [sflag:s8] =	dma.local @!p0 [hbm:s6], $0xF7A  }
0x23: {  	s9 =	sor.u32 $0xD0000000, s2;
	s6 =	simm.s32 $0x108;
	_ =	swait.ge @!p0 [sflag:s8], $0x0  }
0x24: {  	s3 =	sadd.s32 $0x88, s3;
	s6 =	simm.s32 @!p1 $0x1082;
	[sflag:s4] =	ssyncset.s32 $0xFFFFF086  }
0x25: {  	[simem:s6], [sflag:s4] =	dma.local [hbm:s3], $0xF7A  }
0x26: {  	[smem:$0x3F95] =	sst s1;
	(tag) =	ssettag s2;
	_ =	strace s9  }
0x27: {  	s1 =	sld [smem:$0x3FA5]  }
0x28: {  	s2 =	sld [smem:$0x3FA6]  }
0x29: {  	s4 =	sld [smem:$0x3FA8]  }
0x2a: {  	p0 =	seq.s32 s5, $0x0;
	s5 =	sld [smem:$0x3FA9]  }
0x2b: {  	s6 =	sld [smem:$0x3FAA]  }
0x2c: {  	s7 =	sld [smem:$0x3FAB]  }
0x2d: {  	s3 =	simm.s32 $0x108;
	s8 =	sld [smem:$0x3FAC]  }
0x2e: {  	s3 =	simm.s32 @!p0 $0x1082;
	s9 =	sld [smem:$0x3FAD]  }
0x2f: {  	lr =	sadd.s32 s0, s3;
	s0 =	sld [smem:$0x3FA4]  }
0x30: {  	s3 =	sld [smem:$0x3FA7]  }
0x31: {  	[smem:$0x3FB0] =	sst s10  }
0x32: {  	s10 =	sld [smem:$0x3FAE];
	_ =	sdelay $0x3  }
0x33: {  	p0 =	seq.s32 s10, $0x1;
	s10 =	sld [smem:$0x3FB0];
	_ =	sdelay $0x3  }
0x34: {  	[smem:$0x3FB0] =	sst s10  }
0x35: {  	s10 =	sld [smem:$0x3FAF];
	_ =	sdelay $0x3  }
0x36: {  	p1 =	seq.s32 s10, $0x1;
	s10 =	sld [smem:$0x3FB0];
	_ =	sdelay $0x3  }
0x37: {  	[smem:$0x3FB0] =	sst s10  }
0x38: {  	s10 =	sld [smem:$0x3FB1]  }
0x39: {  	_ = 	snop;
	(pc) =	sbr.ind lr, $3  }
0x3a: {  	_ = 	snop  }
0x3b: {  	_ = 	snop  }
0x3c: {  	p2 =	seq.s32 s10, $0x1;
	s10 =	sld [smem:$0x3FB0]  }
0x3d: {  	_ =	shalt  }
0x3e: {  	_ =	shalt  }
0x3f: {  	_ =	shalt  }
0x40: {  	_ =	shalt  }
0x41: {  	_ =	shalt  }
0x42: {  	_ =	shalt  }
0x43: {  	_ =	shalt  }
0x44: {  	_ =	shalt  }
0x45: {  	_ =	shalt  }
0x46: {  	_ =	shalt  }
0x47: {  	_ =	shalt  }
0x48: {  	_ =	shalt  }
0x49: {  	_ =	shalt  }
0x4a: {  	_ =	shalt  }
0x4b: {  	_ =	shalt  }
0x4c: {  	_ =	shalt  }
0x4d: {  	_ =	shalt  }
0x4e: {  	_ =	shalt  }
0x4f: {  	_ =	shalt  }
0x50: {  	_ =	shalt  }
0x51: {  	_ =	shalt  }
0x52: {  	_ =	shalt  }
0x53: {  	_ =	shalt  }
0x54: {  	_ =	shalt  }
0x55: {  	_ =	shalt  }
0x56: {  	_ =	shalt  }
0x57: {  	_ =	shalt  }
0x58: {  	_ =	shalt  }
0x59: {  	_ =	shalt  }
0x5a: {  	_ =	shalt  }
0x5b: {  	_ =	shalt  }
0x5c: {  	_ =	shalt  }
0x5d: {  	_ =	shalt  }
0x5e: {  	_ =	shalt  }
0x5f: {  	_ =	shalt  }
0x60: {  	_ =	shalt  }
0x61: {  	_ =	shalt  }
0x62: {  	_ =	shalt  }
0x63: {  	_ =	shalt  }
0x64: {  	_ =	shalt  }
0x65: {  	_ =	shalt  }
0x66: {  	_ =	shalt  }
0x67: {  	_ =	shalt  }
0x68: {  	_ =	shalt  }
0x69: {  	_ =	shalt  }
0x6a: {  	_ =	shalt  }
0x6b: {  	_ =	shalt  }
0x6c: {  	_ =	shalt  }
0x6d: {  	_ =	shalt  }
0x6e: {  	_ =	shalt  }
0x6f: {  	_ =	shalt  }
0x70: {  	_ =	shalt  }
0x71: {  	_ =	shalt  }
0x72: {  	_ =	shalt  }
0x73: {  	_ =	shalt  }
0x74: {  	_ =	shalt  }
0x75: {  	_ =	shalt  }
0x76: {  	_ =	shalt  }
0x77: {  	_ =	shalt  }
0x78: {  	_ =	shalt  }
0x79: {  	_ =	shalt  }
0x7a: {  	_ =	shalt  }
0x7b: {  	_ =	shalt  }
0x7c: {  	_ =	shalt  }
0x7d: {  	_ =	shalt  }
0x7e: {  	_ =	shalt  }
0x7f: {  	_ =	shalt  }
0x80: {  	_ =	shalt  }
0x81: {  	_ =	shalt  }
0x82: {  	_ =	shalt  }
0x83: {  	_ =	shalt  }
0x84: {  	_ =	shalt  }
0x85: {  	_ =	shalt  }
0x86: {  	_ =	shalt  }
0x87: {  	_ =	shalt  }
.Lfunc_end0:
.L_simem_size_0:
called_computation.2_lowered:
.L_overlay_start_0:
0x88: {  	s2 =	sld [smem:$0x3FD9]  }
0x89: {  	s3 =	sld [smem:$0x3FFE];
	_ =	sdelay $0x1  }
0x8a: {  	s1 =	srdreg.scid  }
0x8b: {  	s0 =	sand.u32 $0x1, s1  }
0x8c: {  	s17 =	sshll.u32 s0, $0xA;
	s2 =	sadd.s32 s3, s2  }
0x8d: {  	s2 =	sadd.s32 s2, s17  }
0x8e: {  	[smem:$0x3FBC] =	sst s2  }
0x8f: {  	_ = 	snop  }
0x90: {  	(tm) =	ssettm $0x1  }
0x91: {  	s18 =	sld [smem:$0x3FFB];
	_ =	sdelay $0x3  }
0x92: {  	_ =	strace s18  }
0x93: {  	s2 =	sld [smem:$0x3FFC];
	_ =	sdelay $0x3  }
0x94: {  	_ =	strace s2  }
0x95: {  	s2 =	sld [smem:$0x3FFD];
	_ =	sdelay $0x3  }
0x96: {  	_ =	strace s2  }
0x97: {  	_ =	strace $0x8FFFFFFF  }
0x98: {  	s19 =	sld [smem:$0x3FDB];
	_ =	sdelay $0x1  }
0x99: {  	s20 =	simm.s32 $_scs_section_size  }
0x9a: {  	s4 =	simm.s32 $_size__tile_overlayer_lowered;
	s5 =	simm.s32 $_tile_overlayer_lowered  }
0x9b: {  	s6 =	simm.s32 $0x1BFF;
	s21 =	sshll.u32 s5, $0x1;
	s3 =	sadd.s32 s20, s19  }
0x9c: {  	s22 =	simm.s32 $0x0;
	s4 =	sshll.u32 s4, $0x1;
	s5 =	sadd.s32 s21, s3  }
0x9d: {  	[timem:s22], [sflag:s6] =	dma.local [hbm:s5], s4  }
0x9e: {  	_ =	swait.ge [sflag:s6], s4  }
0x9f: {  	s4 =	ssub.s32 $0x0, s4;
	[sflag:s6] =	ssyncset.done $0x0  }
0xa0: {  	[sflag:s6] =	ssyncadd.s32 s4;
	_ =	sdelay $0x1  }
0xa1: {  	s23 =	simm.s32 $0x1B8B  }
0xa2: {  	_ =	swait.ge [sflag:s23], $0x1  }
0xa3: {  	[sflag:s23] =	ssyncset.done $0x0  }
0xa4: {  	[sflag:s23] =	ssyncadd.s32 $0xFFFFFFFF  }
0xa5: {  	s4 =	sld [smem:$0x0]  }
0xa6: {  	s5 =	sand.u32 $0xFFFFFFFE, s1  }
0xa7: {  	p0 =	sne.s32 s1, s5  }
0xa8: {  	s5 =	sshll.u32 @p0 s5, $0xE  }
0xa9: {  	s5 =	sadd.s32 @p0 $0x11B8D, s5;
	s6 =	sshll.u32 @p0 s4, $0x11  }
0xaa: {  	s5 =	sor.u32 @p0 s6, s5  }
0xab: {  	[sflag:s5] =	ssyncadd.remote.s32 @p0 $0x1;
	_ =	sdelay $0x1  }
0xac: {  	s5 =	simm.s32 @p0 $0x1B8D  }
0xad: {  	_ =	swait.eq @p0 [sflag:s5], $0x1  }
0xae: {  	[sflag:s5] =	ssyncadd.s32 @p0 $0xFFFFFFFF  }
0xaf: {  	s6 =	sshll.u32 @!p0 s1, $0xE  }
0xb0: {  	s6 =	sor.u32 @!p0 $0x4000, s6;
	s5 =	simm.s32 @!p0 $0x1B8D  }
0xb1: {  	s4 =	sshll.u32 @!p0 s4, $0x11;
	s6 =	sadd.s32 @!p0 $0x11B8D, s6;
	_ =	swait.eq @!p0 [sflag:s5], $0x1  }
0xb2: {  	s4 =	sor.u32 @!p0 s4, s6;
	[sflag:s5] =	ssyncadd.s32 @!p0 $0xFFFFFFFF  }
0xb3: {  	s25 =	simm.s32 $0x1B8E;
	s24 =	sld [smem:$0x3FFE];
	[sflag:s4] =	ssyncadd.remote.s32 @!p0 $0x1  }
0xb4: {  	s26 =	simm.s32 $execute0_lowered;
	[smem:$0x3FD2] =	sst s25  }
0xb5: {  	s5 =	sshll.u32 s26, $0x1;
	_ =	strace $0x8000004C;
	[dreg:$0x1] =	wrdreg $0xFFFFFFFF  }
0xb6: {  	s28 =	simm.s32 $_size_execute0_lowered;
	s3 =	sadd.s32 s3, s5;
	[dreg:$0x0] =	wrdreg $0x0  }
0xb7: {  	s5 =	sshll.u32 s28, $0x1;
	[dreg:$0x2] =	wrdreg s3  }
0xb8: {  	[dreg:$0x3] =	wrdreg s5  }
0xb9: {  	[dreg:$0x4] =	wrdreg $0xC0  }
0xba: {  	_ =	task [dreg:s22], $0x5FFFF  }
0xbb: {  	[dreg:$0x1] =	wrdreg $0xFFFFFFFF  }
0xbc: {  	[dreg:$0x0] =	wrdreg $0x60  }
0xbd: {  	[dreg:$0x2] =	wrdreg s24  }
0xbe: {  	[dreg:$0x3] =	wrdreg $0xA  }
0xbf: {  	_ =	task.clear_ibuf [dreg:s22], $0x4FFFF;
	_ =	strace $0x9000004C  }
0xc0: {  	s29 =	simm.s32 $0xA;
	_ =	strace $0x8000004E  }
0xc1: {  	_ =	swait.ge [sflag:s29], $0x1  }
0xc2: {  	[sflag:s29] =	ssyncadd.s32 $0xFFFFFFFF  }
0xc3: {  	_ =	strace $0x9000004E  }
0xc4: {  	_ =	sfence  }
0xc5: {  	s30 =	sld [smem:$0x0];
	_ =	sdelay $0x2  }
0xc6: {  	s31 =	sshll.u32 s1, $0xD;
	s1 =	sshrl.u32 s1, $0x2  }
0xc7: {  	s4 =	sand.u32 $0x4000, s31;
	s1 =	sadd.s32 s1, s30  }
0xc8: {  	s0 =	sor.u32 s4, s0;
	s1 =	sshll.u32 s1, $0x11  }
0xc9: {  	s0 =	sor.u32 s1, s0  }
0xca: {  	s0 =	sadd.s32 $0x8F2B, s0  }
0xcb: {  	[sflag:s0] =	ssyncadd.remote.s32 $0x1  }
0xcc: {  	_ =	sfence.sel $0xFFFF  }
0xcd: {  	[dreg:$0x0] =	wrdreg $0xFFFFFFFF;
	(pc) =	sbr.abs _section_cstart, $3  }
0xce: {  	[dreg:$0x1] =	wrdreg $0xFFFFFFFF  }
0xcf: {  	_ =	task.clear_ibuf [dreg:s22], $0x2FFFF;
	_ =	strace $0x9FFFFFFF  }
0xd0: {  	(tm) =	ssettm $0x7FFFFFFF  }
0xd1: {  	_ =	shalt  }
tec
execute0_lowered:
.L_overlay_start_1:
0x0: {  	(tag) =	ssettag $0x1  }
0x1: {  	s1 =	srdreg.scid  }
0x2: {  	s0 =	stileid.u32;
	s6 =	rddreg [dreg:$0x0]  }
0x3: {  	s2 =	simm.s32 $0x0;
	s10 =	simm.s32 $0x880;
	s11 =	simm.s32 $0xC80  }
0x4: {  	s12 =	simm.s32 $0x1480;
	s13 =	simm.s32 $0x1880;
	s14 =	simm.s32 $0x2080  }
0x5: {  	s15 =	simm.s32 $0x2480;
	s16 =	simm.s32 $0x2C80;
	s17 =	simm.s32 $0x3080  }
0x6: {  	s18 =	simm.s32 $0x3880;
	s19 =	simm.s32 $0x3C80;
	s20 =	simm.s32 $0x4480  }
0x7: {  	s21 =	simm.s32 $0x4880;
	s3 =	sand.u32 $0x1, s1;
	s4 =	smul.u32 $0xC80, s0  }
0x8: {  	s22 =	simm.s32 $0x5080;
	s23 =	simm.s32 $0x5480;
	s5 =	smul.u32 $0x640, s3  }
0x9: {  	s24 =	simm.s32 $0x5C80;
	s25 =	simm.s32 $0x1;
	s26 =	simm.s32 $0x0  }
0xa: {  	s1 =	rddreg [dreg:$0x1];
	s31 =	ssub.s32 $0x2, s3;
	s4 =	sadd.s32 s5, s4  }
0xb: {  	[smem:$0x7FF] =	sst s2;
	s8 =	sshrl.u32 s31, $0x1;
	s4 =	sshrl.u32 s4, $0x3  }
0xc: {  	_ =	strace $0x8000004D;
	s5 =	ssub.s32 s31, s8;
	s7 =	smul.u32 $0x180, s4  }
0xd: {  	v2 =	vlaneseq.u32;
	s3 =	sadd.s32 $0x7E00, s6;
	s8 =	simm.s32 $0x2;
	s5 =	smax.u32 s5, $0x1  }
0xe: {  	vm0 =	vmmov $0xffff;
	vm1 =	vmmov $0xff;
	v1 =	vshrl.u32 v2, $0x3;
	s9 =	sadd.s32 s4, s6;
	s4 =	sadd.s32 $0x7F00, s6;
	s7 =	sadd.s32 s7, s6  }
0xf: {  	v0 =	vand.u32 $0x7, v2;
	v2 =	vor.u32 $0x8, v2;
	v1 =	vmul.u32 $0x8, v1;
	s6 =	sadd.s32 $0x94BC00, s7;
	s7 =	sadd.s32 $0x6400, s9;
	s9 =	simm.s32 $0x80  }
.LBB2_1:
0x10: {  	s28 =	simm.s32 $0x0;
	s29 =	smov.u32 s6  }
.LBB2_2:
0x11: {  	s30 =	sadd.s32 s28, s7  }
0x12: {  	[tilespmem:s2], [sflag:$0x2] =	stream.linear.gather [hbm4b:s30+s2], $0x40, $0x38;
	[tilespmem:$0x6080] =	vst v63  }
0x13: {  	_ =	swait.ge [sflag:s8], $0x40  }
0x14: {  	[sflag:s8] =	ssyncset.done $0x0  }
0x15: {  	[sflag:s8] =	ssyncadd.s32 $0xFFFFFFC0  }
0x16: {  	v3 =	vld [tilespmem:$0x0];
	_ =	sdelay $0x4  }
0x17: {  	v4 =	vshrl.u32 v3, $0x3  }
0x18: {  	v4 =	vmul.u32 $0x18, v4  }
0x19: {  	v3 =	vand.u32 $0x7, v3  }
0x1a: {  	v3 =	vor.u32 v3, v4  }
0x1b: {  	v4 =	vperm.xlane v3, v0;
	_ =	sdelay $0x1  }
0x1c: {  	v4 =	vadd.s32 v1, v4;
	_ =	sdelay $0x1  }
0x1d: {  	v3 =	vperm.xlane v3, v2;
	_ =	sdelay $0x1  }
0x1e: {  	v3 =	vadd.s32 v1, v3  }
0x1f: {  	[tilespmem:s9], [sflag:$0x1] =	stream.indirect_vreg.gather [hbm4b:s3+s2], $0x80, v4, vm0, $0xb8;
	[tilespmem:$0x6080] =	vst v63  }
0x20: {  	_ = 	snop  }
0x21: {  	[tilespmem:s10], [sflag:$0x1] =	stream.indirect_vreg.gather [hbm4b:s4+s2], $0x80, v4, vm1, $0xb8;
	[tilespmem:$0x6080] =	vst v63  }
0x22: {  	_ = 	snop  }
0x23: {  	[tilespmem:s11], [sflag:$0x1] =	stream.indirect_vreg.gather [hbm4b:s3+s2], $0x80, v3, vm0, $0xb8;
	[tilespmem:$0x6080] =	vst v63  }
0x24: {  	_ = 	snop  }
0x25: {  	[tilespmem:s12], [sflag:$0x1] =	stream.indirect_vreg.gather [hbm4b:s4+s2], $0x80, v3, vm1, $0xb8;
	[tilespmem:$0x6080] =	vst v63  }
0x26: {  	v3 =	vld [tilespmem:$0x10];
	_ =	sdelay $0x4  }
0x27: {  	v61 =	vshrl.u32 v3, $0x3  }
0x28: {  	v4 =	vmul.u32 $0x18, v61  }
0x29: {  	v3 =	vand.u32 $0x7, v3  }
0x2a: {  	v3 =	vor.u32 v3, v4  }
0x2b: {  	v4 =	vperm.xlane v3, v0;
	_ =	sdelay $0x1  }
0x2c: {  	v4 =	vadd.s32 v1, v4;
	_ =	sdelay $0x1  }
0x2d: {  	v3 =	vperm.xlane v3, v2;
	_ =	sdelay $0x1  }
0x2e: {  	v3 =	vadd.s32 v1, v3  }
0x2f: {  	[tilespmem:s13], [sflag:$0x1] =	stream.indirect_vreg.gather [hbm4b:s3+s2], $0x80, v4, vm0, $0xb8;
	[tilespmem:$0x6080] =	vst v63  }
0x30: {  	_ = 	snop  }
0x31: {  	[tilespmem:s14], [sflag:$0x1] =	stream.indirect_vreg.gather [hbm4b:s4+s2], $0x80, v4, vm1, $0xb8;
	[tilespmem:$0x6080] =	vst v63  }
0x32: {  	_ = 	snop  }
0x33: {  	[tilespmem:s15], [sflag:$0x1] =	stream.indirect_vreg.gather [hbm4b:s3+s2], $0x80, v3, vm0, $0xb8;
	[tilespmem:$0x6080] =	vst v63  }
0x34: {  	_ = 	snop  }
0x35: {  	[tilespmem:s16], [sflag:$0x1] =	stream.indirect_vreg.gather [hbm4b:s4+s2], $0x80, v3, vm1, $0xb8;
	[tilespmem:$0x6080] =	vst v63  }
0x36: {  	v3 =	vld [tilespmem:$0x20];
	_ =	sdelay $0x4  }
0x37: {  	v62 =	vshrl.u32 v3, $0x3  }
0x38: {  	v4 =	vmul.u32 $0x18, v62  }
0x39: {  	v3 =	vand.u32 $0x7, v3  }
0x3a: {  	v3 =	vor.u32 v3, v4  }
0x3b: {  	v4 =	vperm.xlane v3, v0;
	_ =	sdelay $0x1  }
0x3c: {  	v4 =	vadd.s32 v1, v4;
	_ =	sdelay $0x1  }
0x3d: {  	v3 =	vperm.xlane v3, v2;
	_ =	sdelay $0x1  }
0x3e: {  	v3 =	vadd.s32 v1, v3  }
0x3f: {  	[tilespmem:s17], [sflag:$0x1] =	stream.indirect_vreg.gather [hbm4b:s3+s2], $0x80, v4, vm0, $0xb8;
	[tilespmem:$0x6080] =	vst v63  }
0x40: {  	_ = 	snop  }
0x41: {  	[tilespmem:s18], [sflag:$0x1] =	stream.indirect_vreg.gather [hbm4b:s4+s2], $0x80, v4, vm1, $0xb8;
	[tilespmem:$0x6080] =	vst v63  }
0x42: {  	_ = 	snop  }
0x43: {  	[tilespmem:s19], [sflag:$0x1] =	stream.indirect_vreg.gather [hbm4b:s3+s2], $0x80, v3, vm0, $0xb8;
	[tilespmem:$0x6080] =	vst v63  }
0x44: {  	_ = 	snop  }
0x45: {  	[tilespmem:s20], [sflag:$0x1] =	stream.indirect_vreg.gather [hbm4b:s4+s2], $0x80, v3, vm1, $0xb8;
	[tilespmem:$0x6080] =	vst v63  }
0x46: {  	v3 =	vld [tilespmem:$0x30];
	_ =	sdelay $0x4  }
0x47: {  	v63 =	vshrl.u32 v3, $0x3  }
0x48: {  	v4 =	vmul.u32 $0x18, v63  }
0x49: {  	v3 =	vand.u32 $0x7, v3  }
0x4a: {  	v3 =	vor.u32 v3, v4  }
0x4b: {  	v4 =	vperm.xlane v3, v0;
	_ =	sdelay $0x1  }
0x4c: {  	v4 =	vadd.s32 v1, v4;
	_ =	sdelay $0x1  }
0x4d: {  	v3 =	vperm.xlane v3, v2;
	_ =	sdelay $0x1  }
0x4e: {  	v3 =	vadd.s32 v1, v3  }
0x4f: {  	[tilespmem:s21], [sflag:$0x1] =	stream.indirect_vreg.gather [hbm4b:s3+s2], $0x80, v4, vm0, $0xb8;
	[tilespmem:$0x6080] =	vst v63  }
0x50: {  	_ = 	snop  }
0x51: {  	[tilespmem:s22], [sflag:$0x1] =	stream.indirect_vreg.gather [hbm4b:s4+s2], $0x80, v4, vm1, $0xb8;
	[tilespmem:$0x6080] =	vst v63  }
0x52: {  	_ = 	snop  }
0x53: {  	[tilespmem:s23], [sflag:$0x1] =	stream.indirect_vreg.gather [hbm4b:s3+s2], $0x80, v3, vm0, $0xb8;
	[tilespmem:$0x6080] =	vst v63  }
0x54: {  	_ = 	snop  }
0x55: {  	[tilespmem:s24], [sflag:$0x1] =	stream.indirect_vreg.gather [hbm4b:s4+s2], $0x80, v3, vm1, $0xb8;
	[tilespmem:$0x6080] =	vst v63  }
0x56: {  	_ =	swait.ge [sflag:s25], $0x6000  }
0x57: {  	p0 =	sne.s32 s28, $0xC0;
	[sflag:s25] =	ssyncset.done $0x0  }
.Ltmp0:
0x58: {  	[sflag:s25] =	ssyncadd.s32 $0xFFFFA000;
	(pc) =	sbr.rel @p0 .LBB2_2-.Ltmp0, $4  }
0x59: {  	[hbm4b:s29+s2] =	stream.linear.scatter [tilespmem:s9], [sflag:$0x2], $0x6000, $0x38;
	[tilespmem:$0x6080] =	vst v63  }
0x5a: {  	_ =	swait.ge [sflag:s8], $0x6000  }
0x5b: {  	[sflag:s8] =	ssyncset.done $0x0  }
0x5c: {  	s28 =	sadd.s32 $0x8, s28;
	s29 =	sadd.s32 $0xC00, s29;
	[sflag:s8] =	ssyncadd.s32 $0xFFFFA000  }
0x5d: {  	s26 =	sadd.s32 $0x1, s26  }
0x5e: {  	p0 =	sne.s32 s26, s5  }
.Ltmp1:
0x5f: {  	_ = 	snop;
	(pc) =	sbr.rel @p0 .LBB2_1-.Ltmp1, $1  }
0x60: {  	_ =	sdelay $0x3  }
0x61: {  	_ =	sfence.sel $0x180000  }
0x62: {  	[bflag:$0x0] =	sbarrier.arrive $0xFFFF  }
0x63: {  	p0 =	sne.s32 s0, $0x0;
	_ =	strace $0x9000004D  }
0x64: {  	s0 =	sadd.s32 @!p0 $0x100000, s1;
	[bflag:$0x2] =	sbarrier.arrive $0xFFFF  }
0x65: {  	[sflag:s0] =	ssyncadd.tile.s32 @!p0 $0x1;
	_ =	shalt  }
.Lfunc_end2:
_tile_overlayer_lowered:
.L_overlay_start_2:
0x66: {  	(tag) =	ssettag $0x2  }
0x67: {  	s0 =	rddreg [dreg:$0x0];
	s2 =	stileid.u32  }
0x68: {  	s1 =	rddreg [dreg:$0x1];
	p0 =	sne.s32 s2, $0x0  }
0x69: {  	s3 =	rddreg [dreg:$0x2];
	[bflag:$0x3] =	sbarrier.arrive $0xFFFF;
	s2 =	simm.s32 @!p0 $0x1C02  }
0x6a: {  	[timem:s3], [sflag:s2] =	dma.local @!p0 [hbm:s0], s1  }
0x6b: {  	s0 =	simm.s32 @!p0 $0x2  }
0x6c: {  	_ =	swait.ge @!p0 [sflag:s0], s1  }
0x6d: {  	s1 =	ssub.s32 @!p0 $0x0, s1;
	[sflag:s0] =	ssyncset.done @!p0 $0x0  }
0x6e: {  	[sflag:s0] =	ssyncadd.s32 @!p0 s1  }
0x6f: {  	[bflag:$0x3] =	sbarrier.arrive $0xFFFF  }
0x70: {  	_ =	shalt  }

// kernel: kernel.17.cloned.1.call-start
scs
__scs_entry_jumppad:
0x0: {  	(pc) =	sbr.rel $0x88, $3  }
0x1: {  	(tag) =	ssettag $0x0;
	lr =	simm.s32 $0x1  }
0x2: {  	[smem:$0x3F95] =	sst lr;
	_ =	strace $0xD0000000  }
0x3: {  	_ = 	snop  }
0x4: {  	_ = 	snop  }
0x5: {  	_ = 	snop  }
0x6: {  	_ = 	snop  }
0x7: {  	_ = 	snop  }
__scs_overlays_trampoline_lowered:
0x8: {  	[smem:$0x3FA4] =	sst s0  }
0x9: {  	[smem:$0x3FA5] =	sst s1  }
0xa: {  	[smem:$0x3FA6] =	sst s2  }
0xb: {  	[smem:$0x3FA7] =	sst s3  }
0xc: {  	[smem:$0x3FA8] =	sst s4  }
0xd: {  	[smem:$0x3FA9] =	sst s5  }
0xe: {  	[smem:$0x3FAA] =	sst s6  }
0xf: {  	[smem:$0x3FAB] =	sst s7  }
0x10: {  	[smem:$0x3FAC] =	sst s8  }
0x11: {  	[smem:$0x3FAD] =	sst s9;
	s0 =	simm.s32 @!p0 $0x0  }
0x12: {  	s1 =	sld [smem:$0x3F93];
	s0 =	simm.s32 @p0 $0x1  }
0x13: {  	[smem:$0x3FAE] =	sst s0;
	s0 =	simm.s32 @!p1 $0x0  }
0x14: {  	s2 =	sld [smem:$0x3F92];
	s0 =	simm.s32 @p1 $0x1  }
0x15: {  	[smem:$0x3FAF] =	sst s0;
	s0 =	simm.s32 @!p2 $0x0  }
0x16: {  	s3 =	sld [smem:$0x3FDB];
	s0 =	simm.s32 @p2 $0x1  }
0x17: {  	s4 =	simm.s32 $0x1BF5;
	[smem:$0x3FB1] =	sst s0  }
0x18: {  	s0 =	sld [smem:$0x3F94];
	_ =	swait.ge [sflag:s4], $0x0  }
0x19: {  	s7 =	sld [smem:$0x3F95]  }
0x1a: {  	s8 =	sadd.s32 $0xFFFFE003, lr  }
0x1b: {  	s9 =	sadd.s32 $0xFFFFFEF7, lr;
	s5 =	simm.s32 $0xFFFFFFFF;
	p2 =	slt.u32 s8, $0xFFFFF086  }
0x1c: {  	p1 =	slt.u32 s9, $0xF7A;
	s5 =	simm.s32 @!p2 $0x0  }
0x1d: {  	s5 =	simm.s32 @p1 $0x1;
	p0 =	seq.s32 s7, s2  }
0x1e: {  	s7 =	smul.u32 @!p0 $0xF7A, s2;
	p2 =	seq.s32 @!p0 s5, $0x0  }
0x1f: {  	s9 =	smul.u32 $0xF7A, s1;
	s8 =	simm.s32 @!p0 $0x1BF5;
	p2 =	por !p2, p0  }
0x20: {  	[sflag:s8] =	ssyncset.s32 @!p0 $0xFFFFF086;
	s6 =	sadd.s32 @!p0 s3, s7;
	s7 =	simm.s32 @!p0 $0x108  }
0x21: {  	s3 =	sadd.s32 s3, s9;
	s6 =	sadd.s32 @!p0 $0x88, s6;
	s7 =	simm.s32 @p2 $0x1082  }
0x22: {  	[simem:s7], [sflag:s8] =	dma.local @!p0 [hbm:s6], $0xF7A  }
0x23: {  	s9 =	sor.u32 $0xD0000000, s2;
	s6 =	simm.s32 $0x108;
	_ =	swait.ge @!p0 [sflag:s8], $0x0  }
0x24: {  	s3 =	sadd.s32 $0x88, s3;
	s6 =	simm.s32 @!p1 $0x1082;
	[sflag:s4] =	ssyncset.s32 $0xFFFFF086  }
0x25: {  	[simem:s6], [sflag:s4] =	dma.local [hbm:s3], $0xF7A  }
0x26: {  	[smem:$0x3F95] =	sst s1;
	(tag) =	ssettag s2;
	_ =	strace s9  }
0x27: {  	s1 =	sld [smem:$0x3FA5]  }
0x28: {  	s2 =	sld [smem:$0x3FA6]  }
0x29: {  	s4 =	sld [smem:$0x3FA8]  }
0x2a: {  	p0 =	seq.s32 s5, $0x0;
	s5 =	sld [smem:$0x3FA9]  }
0x2b: {  	s6 =	sld [smem:$0x3FAA]  }
0x2c: {  	s7 =	sld [smem:$0x3FAB]  }
0x2d: {  	s3 =	simm.s32 $0x108;
	s8 =	sld [smem:$0x3FAC]  }
0x2e: {  	s3 =	simm.s32 @!p0 $0x1082;
	s9 =	sld [smem:$0x3FAD]  }
0x2f: {  	lr =	sadd.s32 s0, s3;
	s0 =	sld [smem:$0x3FA4]  }
0x30: {  	s3 =	sld [smem:$0x3FA7]  }
0x31: {  	[smem:$0x3FB0] =	sst s10  }
0x32: {  	s10 =	sld [smem:$0x3FAE];
	_ =	sdelay $0x3  }
0x33: {  	p0 =	seq.s32 s10, $0x1;
	s10 =	sld [smem:$0x3FB0];
	_ =	sdelay $0x3  }
0x34: {  	[smem:$0x3FB0] =	sst s10  }
0x35: {  	s10 =	sld [smem:$0x3FAF];
	_ =	sdelay $0x3  }
0x36: {  	p1 =	seq.s32 s10, $0x1;
	s10 =	sld [smem:$0x3FB0];
	_ =	sdelay $0x3  }
0x37: {  	[smem:$0x3FB0] =	sst s10  }
0x38: {  	s10 =	sld [smem:$0x3FB1]  }
0x39: {  	_ = 	snop;
	(pc) =	sbr.ind lr, $3  }
0x3a: {  	_ = 	snop  }
0x3b: {  	_ = 	snop  }
0x3c: {  	p2 =	seq.s32 s10, $0x1;
	s10 =	sld [smem:$0x3FB0]  }
0x3d: {  	_ =	shalt  }
0x3e: {  	_ =	shalt  }
0x3f: {  	_ =	shalt  }
0x40: {  	_ =	shalt  }
0x41: {  	_ =	shalt  }
0x42: {  	_ =	shalt  }
0x43: {  	_ =	shalt  }
0x44: {  	_ =	shalt  }
0x45: {  	_ =	shalt  }
0x46: {  	_ =	shalt  }
0x47: {  	_ =	shalt  }
0x48: {  	_ =	shalt  }
0x49: {  	_ =	shalt  }
0x4a: {  	_ =	shalt  }
0x4b: {  	_ =	shalt  }
0x4c: {  	_ =	shalt  }
0x4d: {  	_ =	shalt  }
0x4e: {  	_ =	shalt  }
0x4f: {  	_ =	shalt  }
0x50: {  	_ =	shalt  }
0x51: {  	_ =	shalt  }
0x52: {  	_ =	shalt  }
0x53: {  	_ =	shalt  }
0x54: {  	_ =	shalt  }
0x55: {  	_ =	shalt  }
0x56: {  	_ =	shalt  }
0x57: {  	_ =	shalt  }
0x58: {  	_ =	shalt  }
0x59: {  	_ =	shalt  }
0x5a: {  	_ =	shalt  }
0x5b: {  	_ =	shalt  }
0x5c: {  	_ =	shalt  }
0x5d: {  	_ =	shalt  }
0x5e: {  	_ =	shalt  }
0x5f: {  	_ =	shalt  }
0x60: {  	_ =	shalt  }
0x61: {  	_ =	shalt  }
0x62: {  	_ =	shalt  }
0x63: {  	_ =	shalt  }
0x64: {  	_ =	shalt  }
0x65: {  	_ =	shalt  }
0x66: {  	_ =	shalt  }
0x67: {  	_ =	shalt  }
0x68: {  	_ =	shalt  }
0x69: {  	_ =	shalt  }
0x6a: {  	_ =	shalt  }
0x6b: {  	_ =	shalt  }
0x6c: {  	_ =	shalt  }
0x6d: {  	_ =	shalt  }
0x6e: {  	_ =	shalt  }
0x6f: {  	_ =	shalt  }
0x70: {  	_ =	shalt  }
0x71: {  	_ =	shalt  }
0x72: {  	_ =	shalt  }
0x73: {  	_ =	shalt  }
0x74: {  	_ =	shalt  }
0x75: {  	_ =	shalt  }
0x76: {  	_ =	shalt  }
0x77: {  	_ =	shalt  }
0x78: {  	_ =	shalt  }
0x79: {  	_ =	shalt  }
0x7a: {  	_ =	shalt  }
0x7b: {  	_ =	shalt  }
0x7c: {  	_ =	shalt  }
0x7d: {  	_ =	shalt  }
0x7e: {  	_ =	shalt  }
0x7f: {  	_ =	shalt  }
0x80: {  	_ =	shalt  }
0x81: {  	_ =	shalt  }
0x82: {  	_ =	shalt  }
0x83: {  	_ =	shalt  }
0x84: {  	_ =	shalt  }
0x85: {  	_ =	shalt  }
0x86: {  	_ =	shalt  }
0x87: {  	_ =	shalt  }
.Lfunc_end0:
.L_simem_size_0:
called_computation.3_lowered:
.L_overlay_start_0:
0x88: {  	s2 =	sld [smem:$0x3FD9]  }
0x89: {  	s3 =	sld [smem:$0x3FFE];
	_ =	sdelay $0x1  }
0x8a: {  	s1 =	srdreg.scid  }
0x8b: {  	s0 =	sand.u32 $0x1, s1  }
0x8c: {  	s17 =	sshll.u32 s0, $0xA;
	s2 =	sadd.s32 s3, s2  }
0x8d: {  	s2 =	sadd.s32 s2, s17  }
0x8e: {  	[smem:$0x3FBC] =	sst s2  }
0x8f: {  	_ = 	snop  }
0x90: {  	(tm) =	ssettm $0x1  }
0x91: {  	s18 =	sld [smem:$0x3FFB];
	_ =	sdelay $0x3  }
0x92: {  	_ =	strace s18  }
0x93: {  	s2 =	sld [smem:$0x3FFC];
	_ =	sdelay $0x3  }
0x94: {  	_ =	strace s2  }
0x95: {  	s2 =	sld [smem:$0x3FFD];
	_ =	sdelay $0x3  }
0x96: {  	_ =	strace s2  }
0x97: {  	_ =	strace $0x8FFFFFFF  }
0x98: {  	s19 =	sld [smem:$0x3FDB];
	_ =	sdelay $0x1  }
0x99: {  	s20 =	simm.s32 $_scs_section_size  }
0x9a: {  	s4 =	simm.s32 $_size__tile_overlayer_lowered;
	s5 =	simm.s32 $_tile_overlayer_lowered  }
0x9b: {  	s6 =	simm.s32 $0x1BFF;
	s21 =	sshll.u32 s5, $0x1;
	s3 =	sadd.s32 s20, s19  }
0x9c: {  	s22 =	simm.s32 $0x0;
	s4 =	sshll.u32 s4, $0x1;
	s5 =	sadd.s32 s21, s3  }
0x9d: {  	[timem:s22], [sflag:s6] =	dma.local [hbm:s5], s4  }
0x9e: {  	_ =	swait.ge [sflag:s6], s4  }
0x9f: {  	s4 =	ssub.s32 $0x0, s4;
	[sflag:s6] =	ssyncset.done $0x0  }
0xa0: {  	[sflag:s6] =	ssyncadd.s32 s4;
	_ =	sdelay $0x1  }
0xa1: {  	s23 =	simm.s32 $0x1B8B  }
0xa2: {  	_ =	swait.ge [sflag:s23], $0x1  }
0xa3: {  	[sflag:s23] =	ssyncset.done $0x0  }
0xa4: {  	[sflag:s23] =	ssyncadd.s32 $0xFFFFFFFF  }
0xa5: {  	s4 =	sld [smem:$0x0]  }
0xa6: {  	s5 =	sand.u32 $0xFFFFFFFE, s1  }
0xa7: {  	p0 =	sne.s32 s1, s5  }
0xa8: {  	s5 =	sshll.u32 @p0 s5, $0xE  }
0xa9: {  	s5 =	sadd.s32 @p0 $0x11B8D, s5;
	s6 =	sshll.u32 @p0 s4, $0x11  }
0xaa: {  	s5 =	sor.u32 @p0 s6, s5  }
0xab: {  	[sflag:s5] =	ssyncadd.remote.s32 @p0 $0x1;
	_ =	sdelay $0x1  }
0xac: {  	s5 =	simm.s32 @p0 $0x1B8D  }
0xad: {  	_ =	swait.eq @p0 [sflag:s5], $0x1  }
0xae: {  	[sflag:s5] =	ssyncadd.s32 @p0 $0xFFFFFFFF  }
0xaf: {  	s6 =	sshll.u32 @!p0 s1, $0xE  }
0xb0: {  	s6 =	sor.u32 @!p0 $0x4000, s6;
	s5 =	simm.s32 @!p0 $0x1B8D  }
0xb1: {  	s4 =	sshll.u32 @!p0 s4, $0x11;
	s6 =	sadd.s32 @!p0 $0x11B8D, s6;
	_ =	swait.eq @!p0 [sflag:s5], $0x1  }
0xb2: {  	s4 =	sor.u32 @!p0 s4, s6;
	[sflag:s5] =	ssyncadd.s32 @!p0 $0xFFFFFFFF  }
0xb3: {  	s25 =	simm.s32 $0x1B8E;
	s24 =	sld [smem:$0x3FFE];
	[sflag:s4] =	ssyncadd.remote.s32 @!p0 $0x1  }
0xb4: {  	s26 =	simm.s32 $execute0_lowered;
	[smem:$0x3FD2] =	sst s25  }
0xb5: {  	s5 =	sshll.u32 s26, $0x1;
	_ =	strace $0x80000049;
	[dreg:$0x1] =	wrdreg $0xFFFFFFFF  }
0xb6: {  	s28 =	simm.s32 $_size_execute0_lowered;
	s3 =	sadd.s32 s3, s5;
	[dreg:$0x0] =	wrdreg $0x0  }
0xb7: {  	s5 =	sshll.u32 s28, $0x1;
	[dreg:$0x2] =	wrdreg s3  }
0xb8: {  	[dreg:$0x3] =	wrdreg s5  }
0xb9: {  	[dreg:$0x4] =	wrdreg $0xC0  }
0xba: {  	_ =	task [dreg:s22], $0x5FFFF  }
0xbb: {  	[dreg:$0x1] =	wrdreg $0xFFFFFFFF  }
0xbc: {  	[dreg:$0x0] =	wrdreg $0x60  }
0xbd: {  	[dreg:$0x2] =	wrdreg s24  }
0xbe: {  	[dreg:$0x3] =	wrdreg $0xB  }
0xbf: {  	_ =	task.clear_ibuf [dreg:s22], $0x4FFFF;
	_ =	strace $0x90000049  }
0xc0: {  	s29 =	simm.s32 $0xB;
	_ =	strace $0x8000004B  }
0xc1: {  	_ =	swait.ge [sflag:s29], $0x1  }
0xc2: {  	[sflag:s29] =	ssyncadd.s32 $0xFFFFFFFF  }
0xc3: {  	_ =	strace $0x9000004B  }
0xc4: {  	_ =	sfence  }
0xc5: {  	s30 =	sld [smem:$0x0];
	_ =	sdelay $0x2  }
0xc6: {  	s31 =	sshll.u32 s1, $0xD;
	s1 =	sshrl.u32 s1, $0x2  }
0xc7: {  	s4 =	sand.u32 $0x4000, s31;
	s1 =	sadd.s32 s1, s30  }
0xc8: {  	s0 =	sor.u32 s4, s0;
	s1 =	sshll.u32 s1, $0x11  }
0xc9: {  	s0 =	sor.u32 s1, s0  }
0xca: {  	s0 =	sadd.s32 $0x8F2B, s0  }
0xcb: {  	[sflag:s0] =	ssyncadd.remote.s32 $0x1  }
0xcc: {  	_ =	sfence.sel $0xFFFF  }
0xcd: {  	[dreg:$0x0] =	wrdreg $0xFFFFFFFF;
	(pc) =	sbr.abs _section_cstart, $3  }
0xce: {  	[dreg:$0x1] =	wrdreg $0xFFFFFFFF  }
0xcf: {  	_ =	task.clear_ibuf [dreg:s22], $0x2FFFF;
	_ =	strace $0x9FFFFFFF  }
0xd0: {  	(tm) =	ssettm $0x7FFFFFFF  }
0xd1: {  	_ =	shalt  }
tec
execute0_lowered:
.L_overlay_start_1:
0x0: {  	(tag) =	ssettag $0x1  }
0x1: {  	s1 =	srdreg.scid  }
0x2: {  	s0 =	stileid.u32;
	s6 =	rddreg [dreg:$0x0]  }
0x3: {  	s2 =	simm.s32 $0x0;
	s10 =	simm.s32 $0x880;
	s11 =	simm.s32 $0xC80  }
0x4: {  	s12 =	simm.s32 $0x1480;
	s13 =	simm.s32 $0x1880;
	s14 =	simm.s32 $0x2080  }
0x5: {  	s15 =	simm.s32 $0x2480;
	s16 =	simm.s32 $0x2C80;
	s17 =	simm.s32 $0x3080  }
0x6: {  	s18 =	simm.s32 $0x3880;
	s19 =	simm.s32 $0x3C80;
	s20 =	simm.s32 $0x4480  }
0x7: {  	s21 =	simm.s32 $0x4880;
	s3 =	sand.u32 $0x1, s1;
	s4 =	smul.u32 $0xC80, s0  }
0x8: {  	s22 =	simm.s32 $0x5080;
	s23 =	simm.s32 $0x5480;
	s5 =	smul.u32 $0x640, s3  }
0x9: {  	s24 =	simm.s32 $0x5C80;
	s25 =	simm.s32 $0x1;
	s26 =	simm.s32 $0x0  }
0xa: {  	s1 =	rddreg [dreg:$0x1];
	s31 =	ssub.s32 $0x2, s3;
	s4 =	sadd.s32 s5, s4  }
0xb: {  	[smem:$0x7FF] =	sst s2;
	s8 =	sshrl.u32 s31, $0x1;
	s4 =	sshrl.u32 s4, $0x3  }
0xc: {  	_ =	strace $0x8000004A;
	s5 =	ssub.s32 s31, s8;
	s7 =	smul.u32 $0x180, s4  }
0xd: {  	v2 =	vlaneseq.u32;
	s3 =	sadd.s32 $0x7E00, s6;
	s8 =	simm.s32 $0x2;
	s5 =	smax.u32 s5, $0x1  }
0xe: {  	vm0 =	vmmov $0xffff;
	vm1 =	vmmov $0xff;
	v1 =	vshrl.u32 v2, $0x3;
	s9 =	sadd.s32 s4, s6;
	s4 =	sadd.s32 $0x7F00, s6;
	s7 =	sadd.s32 s7, s6  }
0xf: {  	v0 =	vand.u32 $0x7, v2;
	v2 =	vor.u32 $0x8, v2;
	v1 =	vmul.u32 $0x8, v1;
	s6 =	sadd.s32 $0x6F3C00, s7;
	s7 =	sadd.s32 $0x4A00, s9;
	s9 =	simm.s32 $0x80  }
.LBB2_1:
0x10: {  	s28 =	simm.s32 $0x0;
	s29 =	smov.u32 s6  }
.LBB2_2:
0x11: {  	s30 =	sadd.s32 s28, s7  }
0x12: {  	[tilespmem:s2], [sflag:$0x2] =	stream.linear.gather [hbm4b:s30+s2], $0x40, $0x38;
	[tilespmem:$0x6080] =	vst v63  }
0x13: {  	_ =	swait.ge [sflag:s8], $0x40  }
0x14: {  	[sflag:s8] =	ssyncset.done $0x0  }
0x15: {  	[sflag:s8] =	ssyncadd.s32 $0xFFFFFFC0  }
0x16: {  	v3 =	vld [tilespmem:$0x0];
	_ =	sdelay $0x4  }
0x17: {  	v4 =	vshrl.u32 v3, $0x3  }
0x18: {  	v4 =	vmul.u32 $0x18, v4  }
0x19: {  	v3 =	vand.u32 $0x7, v3  }
0x1a: {  	v3 =	vor.u32 v3, v4  }
0x1b: {  	v4 =	vperm.xlane v3, v0;
	_ =	sdelay $0x1  }
0x1c: {  	v4 =	vadd.s32 v1, v4;
	_ =	sdelay $0x1  }
0x1d: {  	v3 =	vperm.xlane v3, v2;
	_ =	sdelay $0x1  }
0x1e: {  	v3 =	vadd.s32 v1, v3  }
0x1f: {  	[tilespmem:s9], [sflag:$0x1] =	stream.indirect_vreg.gather [hbm4b:s3+s2], $0x80, v4, vm0, $0xb8;
	[tilespmem:$0x6080] =	vst v63  }
0x20: {  	_ = 	snop  }
0x21: {  	[tilespmem:s10], [sflag:$0x1] =	stream.indirect_vreg.gather [hbm4b:s4+s2], $0x80, v4, vm1, $0xb8;
	[tilespmem:$0x6080] =	vst v63  }
0x22: {  	_ = 	snop  }
0x23: {  	[tilespmem:s11], [sflag:$0x1] =	stream.indirect_vreg.gather [hbm4b:s3+s2], $0x80, v3, vm0, $0xb8;
	[tilespmem:$0x6080] =	vst v63  }
0x24: {  	_ = 	snop  }
0x25: {  	[tilespmem:s12], [sflag:$0x1] =	stream.indirect_vreg.gather [hbm4b:s4+s2], $0x80, v3, vm1, $0xb8;
	[tilespmem:$0x6080] =	vst v63  }
0x26: {  	v3 =	vld [tilespmem:$0x10];
	_ =	sdelay $0x4  }
0x27: {  	v61 =	vshrl.u32 v3, $0x3  }
0x28: {  	v4 =	vmul.u32 $0x18, v61  }
0x29: {  	v3 =	vand.u32 $0x7, v3  }
0x2a: {  	v3 =	vor.u32 v3, v4  }
0x2b: {  	v4 =	vperm.xlane v3, v0;
	_ =	sdelay $0x1  }
0x2c: {  	v4 =	vadd.s32 v1, v4;
	_ =	sdelay $0x1  }
0x2d: {  	v3 =	vperm.xlane v3, v2;
	_ =	sdelay $0x1  }
0x2e: {  	v3 =	vadd.s32 v1, v3  }
0x2f: {  	[tilespmem:s13], [sflag:$0x1] =	stream.indirect_vreg.gather [hbm4b:s3+s2], $0x80, v4, vm0, $0xb8;
	[tilespmem:$0x6080] =	vst v63  }
0x30: {  	_ = 	snop  }
0x31: {  	[tilespmem:s14], [sflag:$0x1] =	stream.indirect_vreg.gather [hbm4b:s4+s2], $0x80, v4, vm1, $0xb8;
	[tilespmem:$0x6080] =	vst v63  }
0x32: {  	_ = 	snop  }
0x33: {  	[tilespmem:s15], [sflag:$0x1] =	stream.indirect_vreg.gather [hbm4b:s3+s2], $0x80, v3, vm0, $0xb8;
	[tilespmem:$0x6080] =	vst v63  }
0x34: {  	_ = 	snop  }
0x35: {  	[tilespmem:s16], [sflag:$0x1] =	stream.indirect_vreg.gather [hbm4b:s4+s2], $0x80, v3, vm1, $0xb8;
	[tilespmem:$0x6080] =	vst v63  }
0x36: {  	v3 =	vld [tilespmem:$0x20];
	_ =	sdelay $0x4  }
0x37: {  	v62 =	vshrl.u32 v3, $0x3  }
0x38: {  	v4 =	vmul.u32 $0x18, v62  }
0x39: {  	v3 =	vand.u32 $0x7, v3  }
0x3a: {  	v3 =	vor.u32 v3, v4  }
0x3b: {  	v4 =	vperm.xlane v3, v0;
	_ =	sdelay $0x1  }
0x3c: {  	v4 =	vadd.s32 v1, v4;
	_ =	sdelay $0x1  }
0x3d: {  	v3 =	vperm.xlane v3, v2;
	_ =	sdelay $0x1  }
0x3e: {  	v3 =	vadd.s32 v1, v3  }
0x3f: {  	[tilespmem:s17], [sflag:$0x1] =	stream.indirect_vreg.gather [hbm4b:s3+s2], $0x80, v4, vm0, $0xb8;
	[tilespmem:$0x6080] =	vst v63  }
0x40: {  	_ = 	snop  }
0x41: {  	[tilespmem:s18], [sflag:$0x1] =	stream.indirect_vreg.gather [hbm4b:s4+s2], $0x80, v4, vm1, $0xb8;
	[tilespmem:$0x6080] =	vst v63  }
0x42: {  	_ = 	snop  }
0x43: {  	[tilespmem:s19], [sflag:$0x1] =	stream.indirect_vreg.gather [hbm4b:s3+s2], $0x80, v3, vm0, $0xb8;
	[tilespmem:$0x6080] =	vst v63  }
0x44: {  	_ = 	snop  }
0x45: {  	[tilespmem:s20], [sflag:$0x1] =	stream.indirect_vreg.gather [hbm4b:s4+s2], $0x80, v3, vm1, $0xb8;
	[tilespmem:$0x6080] =	vst v63  }
0x46: {  	v3 =	vld [tilespmem:$0x30];
	_ =	sdelay $0x4  }
0x47: {  	v63 =	vshrl.u32 v3, $0x3  }
0x48: {  	v4 =	vmul.u32 $0x18, v63  }
0x49: {  	v3 =	vand.u32 $0x7, v3  }
0x4a: {  	v3 =	vor.u32 v3, v4  }
0x4b: {  	v4 =	vperm.xlane v3, v0;
	_ =	sdelay $0x1  }
0x4c: {  	v4 =	vadd.s32 v1, v4;
	_ =	sdelay $0x1  }
0x4d: {  	v3 =	vperm.xlane v3, v2;
	_ =	sdelay $0x1  }
0x4e: {  	v3 =	vadd.s32 v1, v3  }
0x4f: {  	[tilespmem:s21], [sflag:$0x1] =	stream.indirect_vreg.gather [hbm4b:s3+s2], $0x80, v4, vm0, $0xb8;
	[tilespmem:$0x6080] =	vst v63  }
0x50: {  	_ = 	snop  }
0x51: {  	[tilespmem:s22], [sflag:$0x1] =	stream.indirect_vreg.gather [hbm4b:s4+s2], $0x80, v4, vm1, $0xb8;
	[tilespmem:$0x6080] =	vst v63  }
0x52: {  	_ = 	snop  }
0x53: {  	[tilespmem:s23], [sflag:$0x1] =	stream.indirect_vreg.gather [hbm4b:s3+s2], $0x80, v3, vm0, $0xb8;
	[tilespmem:$0x6080] =	vst v63  }
0x54: {  	_ = 	snop  }
0x55: {  	[tilespmem:s24], [sflag:$0x1] =	stream.indirect_vreg.gather [hbm4b:s4+s2], $0x80, v3, vm1, $0xb8;
	[tilespmem:$0x6080] =	vst v63  }
0x56: {  	_ =	swait.ge [sflag:s25], $0x6000  }
0x57: {  	p0 =	sne.s32 s28, $0xC0;
	[sflag:s25] =	ssyncset.done $0x0  }
.Ltmp0:
0x58: {  	[sflag:s25] =	ssyncadd.s32 $0xFFFFA000;
	(pc) =	sbr.rel @p0 .LBB2_2-.Ltmp0, $4  }
0x59: {  	[hbm4b:s29+s2] =	stream.linear.scatter [tilespmem:s9], [sflag:$0x2], $0x6000, $0x38;
	[tilespmem:$0x6080] =	vst v63  }
0x5a: {  	_ =	swait.ge [sflag:s8], $0x6000  }
0x5b: {  	[sflag:s8] =	ssyncset.done $0x0  }
0x5c: {  	s28 =	sadd.s32 $0x8, s28;
	s29 =	sadd.s32 $0xC00, s29;
	[sflag:s8] =	ssyncadd.s32 $0xFFFFA000  }
0x5d: {  	s26 =	sadd.s32 $0x1, s26  }
0x5e: {  	p0 =	sne.s32 s26, s5  }
.Ltmp1:
0x5f: {  	_ = 	snop;
	(pc) =	sbr.rel @p0 .LBB2_1-.Ltmp1, $1  }
0x60: {  	_ =	sdelay $0x3  }
0x61: {  	_ =	sfence.sel $0x180000  }
0x62: {  	[bflag:$0x0] =	sbarrier.arrive $0xFFFF  }
0x63: {  	p0 =	sne.s32 s0, $0x0;
	_ =	strace $0x9000004A  }
0x64: {  	s0 =	sadd.s32 @!p0 $0x100000, s1;
	[bflag:$0x2] =	sbarrier.arrive $0xFFFF  }
0x65: {  	[sflag:s0] =	ssyncadd.tile.s32 @!p0 $0x1;
	_ =	shalt  }
.Lfunc_end2:
_tile_overlayer_lowered:
.L_overlay_start_2:
0x66: {  	(tag) =	ssettag $0x2  }
0x67: {  	s0 =	rddreg [dreg:$0x0];
	s2 =	stileid.u32  }
0x68: {  	s1 =	rddreg [dreg:$0x1];
	p0 =	sne.s32 s2, $0x0  }
0x69: {  	s3 =	rddreg [dreg:$0x2];
	[bflag:$0x3] =	sbarrier.arrive $0xFFFF;
	s2 =	simm.s32 @!p0 $0x1C02  }
0x6a: {  	[timem:s3], [sflag:s2] =	dma.local @!p0 [hbm:s0], s1  }
0x6b: {  	s0 =	simm.s32 @!p0 $0x2  }
0x6c: {  	_ =	swait.ge @!p0 [sflag:s0], s1  }
0x6d: {  	s1 =	ssub.s32 @!p0 $0x0, s1;
	[sflag:s0] =	ssyncset.done @!p0 $0x0  }
0x6e: {  	[sflag:s0] =	ssyncadd.s32 @!p0 s1  }
0x6f: {  	[bflag:$0x3] =	sbarrier.arrive $0xFFFF  }
0x70: {  	_ =	shalt  }

// kernel: kernel.20.cloned.1.call-start
scs
__scs_entry_jumppad:
0x0: {  	(pc) =	sbr.rel $0x88, $3  }
0x1: {  	(tag) =	ssettag $0x0;
	lr =	simm.s32 $0x1  }
0x2: {  	[smem:$0x3F95] =	sst lr;
	_ =	strace $0xD0000000  }
0x3: {  	_ = 	snop  }
0x4: {  	_ = 	snop  }
0x5: {  	_ = 	snop  }
0x6: {  	_ = 	snop  }
0x7: {  	_ = 	snop  }
__scs_overlays_trampoline_lowered:
0x8: {  	[smem:$0x3FA4] =	sst s0  }
0x9: {  	[smem:$0x3FA5] =	sst s1  }
0xa: {  	[smem:$0x3FA6] =	sst s2  }
0xb: {  	[smem:$0x3FA7] =	sst s3  }
0xc: {  	[smem:$0x3FA8] =	sst s4  }
0xd: {  	[smem:$0x3FA9] =	sst s5  }
0xe: {  	[smem:$0x3FAA] =	sst s6  }
0xf: {  	[smem:$0x3FAB] =	sst s7  }
0x10: {  	[smem:$0x3FAC] =	sst s8  }
0x11: {  	[smem:$0x3FAD] =	sst s9;
	s0 =	simm.s32 @!p0 $0x0  }
0x12: {  	s1 =	sld [smem:$0x3F93];
	s0 =	simm.s32 @p0 $0x1  }
0x13: {  	[smem:$0x3FAE] =	sst s0;
	s0 =	simm.s32 @!p1 $0x0  }
0x14: {  	s2 =	sld [smem:$0x3F92];
	s0 =	simm.s32 @p1 $0x1  }
0x15: {  	[smem:$0x3FAF] =	sst s0;
	s0 =	simm.s32 @!p2 $0x0  }
0x16: {  	s3 =	sld [smem:$0x3FDB];
	s0 =	simm.s32 @p2 $0x1  }
0x17: {  	s4 =	simm.s32 $0x1BF5;
	[smem:$0x3FB1] =	sst s0  }
0x18: {  	s0 =	sld [smem:$0x3F94];
	_ =	swait.ge [sflag:s4], $0x0  }
0x19: {  	s7 =	sld [smem:$0x3F95]  }
0x1a: {  	s8 =	sadd.s32 $0xFFFFE003, lr  }
0x1b: {  	s9 =	sadd.s32 $0xFFFFFEF7, lr;
	s5 =	simm.s32 $0xFFFFFFFF;
	p2 =	slt.u32 s8, $0xFFFFF086  }
0x1c: {  	p1 =	slt.u32 s9, $0xF7A;
	s5 =	simm.s32 @!p2 $0x0  }
0x1d: {  	s5 =	simm.s32 @p1 $0x1;
	p0 =	seq.s32 s7, s2  }
0x1e: {  	s7 =	smul.u32 @!p0 $0xF7A, s2;
	p2 =	seq.s32 @!p0 s5, $0x0  }
0x1f: {  	s9 =	smul.u32 $0xF7A, s1;
	s8 =	simm.s32 @!p0 $0x1BF5;
	p2 =	por !p2, p0  }
0x20: {  	[sflag:s8] =	ssyncset.s32 @!p0 $0xFFFFF086;
	s6 =	sadd.s32 @!p0 s3, s7;
	s7 =	simm.s32 @!p0 $0x108  }
0x21: {  	s3 =	sadd.s32 s3, s9;
	s6 =	sadd.s32 @!p0 $0x88, s6;
	s7 =	simm.s32 @p2 $0x1082  }
0x22: {  	[simem:s7], [sflag:s8] =	dma.local @!p0 [hbm:s6], $0xF7A  }
0x23: {  	s9 =	sor.u32 $0xD0000000, s2;
	s6 =	simm.s32 $0x108;
	_ =	swait.ge @!p0 [sflag:s8], $0x0  }
0x24: {  	s3 =	sadd.s32 $0x88, s3;
	s6 =	simm.s32 @!p1 $0x1082;
	[sflag:s4] =	ssyncset.s32 $0xFFFFF086  }
0x25: {  	[simem:s6], [sflag:s4] =	dma.local [hbm:s3], $0xF7A  }
0x26: {  	[smem:$0x3F95] =	sst s1;
	(tag) =	ssettag s2;
	_ =	strace s9  }
0x27: {  	s1 =	sld [smem:$0x3FA5]  }
0x28: {  	s2 =	sld [smem:$0x3FA6]  }
0x29: {  	s4 =	sld [smem:$0x3FA8]  }
0x2a: {  	p0 =	seq.s32 s5, $0x0;
	s5 =	sld [smem:$0x3FA9]  }
0x2b: {  	s6 =	sld [smem:$0x3FAA]  }
0x2c: {  	s7 =	sld [smem:$0x3FAB]  }
0x2d: {  	s3 =	simm.s32 $0x108;
	s8 =	sld [smem:$0x3FAC]  }
0x2e: {  	s3 =	simm.s32 @!p0 $0x1082;
	s9 =	sld [smem:$0x3FAD]  }
0x2f: {  	lr =	sadd.s32 s0, s3;
	s0 =	sld [smem:$0x3FA4]  }
0x30: {  	s3 =	sld [smem:$0x3FA7]  }
0x31: {  	[smem:$0x3FB0] =	sst s10  }
0x32: {  	s10 =	sld [smem:$0x3FAE];
	_ =	sdelay $0x3  }
0x33: {  	p0 =	seq.s32 s10, $0x1;
	s10 =	sld [smem:$0x3FB0];
	_ =	sdelay $0x3  }
0x34: {  	[smem:$0x3FB0] =	sst s10  }
0x35: {  	s10 =	sld [smem:$0x3FAF];
	_ =	sdelay $0x3  }
0x36: {  	p1 =	seq.s32 s10, $0x1;
	s10 =	sld [smem:$0x3FB0];
	_ =	sdelay $0x3  }
0x37: {  	[smem:$0x3FB0] =	sst s10  }
0x38: {  	s10 =	sld [smem:$0x3FB1]  }
0x39: {  	_ = 	snop;
	(pc) =	sbr.ind lr, $3  }
0x3a: {  	_ = 	snop  }
0x3b: {  	_ = 	snop  }
0x3c: {  	p2 =	seq.s32 s10, $0x1;
	s10 =	sld [smem:$0x3FB0]  }
0x3d: {  	_ =	shalt  }
0x3e: {  	_ =	shalt  }
0x3f: {  	_ =	shalt  }
0x40: {  	_ =	shalt  }
0x41: {  	_ =	shalt  }
0x42: {  	_ =	shalt  }
0x43: {  	_ =	shalt  }
0x44: {  	_ =	shalt  }
0x45: {  	_ =	shalt  }
0x46: {  	_ =	shalt  }
0x47: {  	_ =	shalt  }
0x48: {  	_ =	shalt  }
0x49: {  	_ =	shalt  }
0x4a: {  	_ =	shalt  }
0x4b: {  	_ =	shalt  }
0x4c: {  	_ =	shalt  }
0x4d: {  	_ =	shalt  }
0x4e: {  	_ =	shalt  }
0x4f: {  	_ =	shalt  }
0x50: {  	_ =	shalt  }
0x51: {  	_ =	shalt  }
0x52: {  	_ =	shalt  }
0x53: {  	_ =	shalt  }
0x54: {  	_ =	shalt  }
0x55: {  	_ =	shalt  }
0x56: {  	_ =	shalt  }
0x57: {  	_ =	shalt  }
0x58: {  	_ =	shalt  }
0x59: {  	_ =	shalt  }
0x5a: {  	_ =	shalt  }
0x5b: {  	_ =	shalt  }
0x5c: {  	_ =	shalt  }
0x5d: {  	_ =	shalt  }
0x5e: {  	_ =	shalt  }
0x5f: {  	_ =	shalt  }
0x60: {  	_ =	shalt  }
0x61: {  	_ =	shalt  }
0x62: {  	_ =	shalt  }
0x63: {  	_ =	shalt  }
0x64: {  	_ =	shalt  }
0x65: {  	_ =	shalt  }
0x66: {  	_ =	shalt  }
0x67: {  	_ =	shalt  }
0x68: {  	_ =	shalt  }
0x69: {  	_ =	shalt  }
0x6a: {  	_ =	shalt  }
0x6b: {  	_ =	shalt  }
0x6c: {  	_ =	shalt  }
0x6d: {  	_ =	shalt  }
0x6e: {  	_ =	shalt  }
0x6f: {  	_ =	shalt  }
0x70: {  	_ =	shalt  }
0x71: {  	_ =	shalt  }
0x72: {  	_ =	shalt  }
0x73: {  	_ =	shalt  }
0x74: {  	_ =	shalt  }
0x75: {  	_ =	shalt  }
0x76: {  	_ =	shalt  }
0x77: {  	_ =	shalt  }
0x78: {  	_ =	shalt  }
0x79: {  	_ =	shalt  }
0x7a: {  	_ =	shalt  }
0x7b: {  	_ =	shalt  }
0x7c: {  	_ =	shalt  }
0x7d: {  	_ =	shalt  }
0x7e: {  	_ =	shalt  }
0x7f: {  	_ =	shalt  }
0x80: {  	_ =	shalt  }
0x81: {  	_ =	shalt  }
0x82: {  	_ =	shalt  }
0x83: {  	_ =	shalt  }
0x84: {  	_ =	shalt  }
0x85: {  	_ =	shalt  }
0x86: {  	_ =	shalt  }
0x87: {  	_ =	shalt  }
.Lfunc_end0:
.L_simem_size_0:
called_computation.4_lowered:
.L_overlay_start_0:
0x88: {  	s2 =	sld [smem:$0x3FD9]  }
0x89: {  	s3 =	sld [smem:$0x3FFE];
	_ =	sdelay $0x1  }
0x8a: {  	s1 =	srdreg.scid  }
0x8b: {  	s0 =	sand.u32 $0x1, s1  }
0x8c: {  	s16 =	sshll.u32 s0, $0xA;
	s2 =	sadd.s32 s3, s2  }
0x8d: {  	s2 =	sadd.s32 s2, s16  }
0x8e: {  	[smem:$0x3FBC] =	sst s2  }
0x8f: {  	_ = 	snop  }
0x90: {  	(tm) =	ssettm $0x1  }
0x91: {  	s17 =	sld [smem:$0x3FFB];
	_ =	sdelay $0x3  }
0x92: {  	_ =	strace s17  }
0x93: {  	s2 =	sld [smem:$0x3FFC];
	_ =	sdelay $0x3  }
0x94: {  	_ =	strace s2  }
0x95: {  	s2 =	sld [smem:$0x3FFD];
	_ =	sdelay $0x3  }
0x96: {  	_ =	strace s2  }
0x97: {  	_ =	strace $0x8FFFFFFF  }
0x98: {  	s18 =	sld [smem:$0x3FDB];
	_ =	sdelay $0x1  }
0x99: {  	s19 =	simm.s32 $_scs_section_size  }
0x9a: {  	s4 =	simm.s32 $_size__tile_overlayer_lowered;
	s5 =	simm.s32 $_tile_overlayer_lowered  }
0x9b: {  	s22 =	simm.s32 $0x1BFF;
	s21 =	sshll.u32 s5, $0x1;
	s2 =	sadd.s32 s19, s18  }
0x9c: {  	s6 =	simm.s32 $0x0;
	s20 =	sshll.u32 s4, $0x1;
	s4 =	sadd.s32 s21, s2  }
0x9d: {  	[timem:s6], [sflag:s22] =	dma.local [hbm:s4], s20  }
0x9e: {  	_ =	swait.ge [sflag:s22], s20  }
0x9f: {  	s3 =	ssub.s32 $0x0, s20;
	[sflag:s22] =	ssyncset.done $0x0  }
0xa0: {  	[sflag:s22] =	ssyncadd.s32 s3;
	_ =	sdelay $0x1  }
0xa1: {  	s23 =	simm.s32 $0x1B8B  }
0xa2: {  	_ =	swait.ge [sflag:s23], $0x1  }
0xa3: {  	[sflag:s23] =	ssyncset.done $0x0  }
0xa4: {  	s25 =	simm.s32 $0x1B8E;
	s24 =	sld [smem:$0x3FFE];
	[sflag:s23] =	ssyncadd.s32 $0xFFFFFFFF  }
0xa5: {  	s26 =	simm.s32 $execute0_lowered;
	[smem:$0x3FD2] =	sst s25  }
0xa6: {  	s4 =	sshll.u32 s26, $0x1;
	_ =	strace $0x80000046;
	[dreg:$0x1] =	wrdreg $0xFFFFFFFF  }
0xa7: {  	s28 =	simm.s32 $_size_execute0_lowered;
	s2 =	sadd.s32 s2, s4;
	[dreg:$0x0] =	wrdreg $0x0  }
0xa8: {  	s4 =	sshll.u32 s28, $0x1;
	[dreg:$0x2] =	wrdreg s2  }
0xa9: {  	[dreg:$0x3] =	wrdreg s4  }
0xaa: {  	[dreg:$0x4] =	wrdreg $0xC0  }
0xab: {  	_ =	task [dreg:s6], $0x5FFFF  }
0xac: {  	[dreg:$0x1] =	wrdreg $0xFFFFFFFF  }
0xad: {  	[dreg:$0x0] =	wrdreg $0x60  }
0xae: {  	[dreg:$0x2] =	wrdreg s24  }
0xaf: {  	[dreg:$0x3] =	wrdreg $0xC  }
0xb0: {  	_ =	task.clear_ibuf [dreg:s6], $0x4FFFF;
	_ =	strace $0x90000046  }
0xb1: {  	s29 =	simm.s32 $0xC;
	_ =	strace $0x80000048  }
0xb2: {  	_ =	swait.ge [sflag:s29], $0x1  }
0xb3: {  	[sflag:s29] =	ssyncadd.s32 $0xFFFFFFFF  }
0xb4: {  	_ =	strace $0x90000048  }
0xb5: {  	_ =	sfence  }
0xb6: {  	s30 =	sld [smem:$0x0];
	_ =	sdelay $0x2  }
0xb7: {  	s31 =	sshll.u32 s1, $0xD;
	s1 =	sshrl.u32 s1, $0x2  }
0xb8: {  	s3 =	sand.u32 $0x4000, s31;
	s1 =	sadd.s32 s1, s30  }
0xb9: {  	s0 =	sor.u32 s3, s0;
	s1 =	sshll.u32 s1, $0x11  }
0xba: {  	s0 =	sor.u32 s1, s0  }
0xbb: {  	s0 =	sadd.s32 $0x8F2B, s0  }
0xbc: {  	[sflag:s0] =	ssyncadd.remote.s32 $0x1  }
0xbd: {  	_ =	sfence.sel $0xFFFF  }
0xbe: {  	[dreg:$0x0] =	wrdreg $0xFFFFFFFF;
	(pc) =	sbr.abs _section_cstart, $3  }
0xbf: {  	[dreg:$0x1] =	wrdreg $0xFFFFFFFF  }
0xc0: {  	_ =	task.clear_ibuf [dreg:s6], $0x2FFFF;
	_ =	strace $0x9FFFFFFF  }
0xc1: {  	(tm) =	ssettm $0x7FFFFFFF  }
tec
execute0_lowered:
.L_overlay_start_1:
0x0: {  	(tag) =	ssettag $0x1  }
0x1: {  	s1 =	srdreg.scid  }
0x2: {  	s0 =	stileid.u32;
	s6 =	rddreg [dreg:$0x0]  }
0x3: {  	s2 =	simm.s32 $0x0;
	s10 =	simm.s32 $0x880;
	s11 =	simm.s32 $0xC80  }
0x4: {  	s12 =	simm.s32 $0x1480;
	s13 =	simm.s32 $0x1880;
	s14 =	simm.s32 $0x2080  }
0x5: {  	s15 =	simm.s32 $0x2480;
	s16 =	simm.s32 $0x2C80;
	s17 =	simm.s32 $0x3080  }
0x6: {  	s18 =	simm.s32 $0x3880;
	s19 =	simm.s32 $0x3C80;
	s20 =	simm.s32 $0x4480  }
0x7: {  	s21 =	simm.s32 $0x4880;
	s3 =	sand.u32 $0x1, s1;
	s4 =	smul.u32 $0xC80, s0  }
0x8: {  	s22 =	simm.s32 $0x5080;
	s23 =	simm.s32 $0x5480;
	s5 =	smul.u32 $0x640, s3  }
0x9: {  	s24 =	simm.s32 $0x5C80;
	s25 =	simm.s32 $0x1;
	s26 =	simm.s32 $0x0  }
0xa: {  	s1 =	rddreg [dreg:$0x1];
	s31 =	ssub.s32 $0x2, s3;
	s4 =	sadd.s32 s5, s4  }
0xb: {  	[smem:$0x7FF] =	sst s2;
	s8 =	sshrl.u32 s31, $0x1;
	s4 =	sshrl.u32 s4, $0x3  }
0xc: {  	_ =	strace $0x80000047;
	s5 =	ssub.s32 s31, s8;
	s7 =	smul.u32 $0x180, s4  }
0xd: {  	v2 =	vlaneseq.u32;
	s3 =	sadd.s32 $0x7E00, s6;
	s8 =	simm.s32 $0x2;
	s5 =	smax.u32 s5, $0x1  }
0xe: {  	vm0 =	vmmov $0xffff;
	vm1 =	vmmov $0xff;
	v1 =	vshrl.u32 v2, $0x3;
	s9 =	sadd.s32 s4, s6;
	s4 =	sadd.s32 $0x7F00, s6;
	s7 =	sadd.s32 s7, s6  }
0xf: {  	v0 =	vand.u32 $0x7, v2;
	v2 =	vor.u32 $0x8, v2;
	v1 =	vmul.u32 $0x8, v1;
	s6 =	sadd.s32 $0x49BC00, s7;
	s7 =	sadd.s32 $0x3000, s9;
	s9 =	simm.s32 $0x80  }
.LBB2_1:
0x10: {  	s28 =	simm.s32 $0x0;
	s29 =	smov.u32 s6  }
.LBB2_2:
0x11: {  	s30 =	sadd.s32 s28, s7  }
0x12: {  	[tilespmem:s2], [sflag:$0x2] =	stream.linear.gather [hbm4b:s30+s2], $0x40, $0x38;
	[tilespmem:$0x6080] =	vst v63  }
0x13: {  	_ =	swait.ge [sflag:s8], $0x40  }
0x14: {  	[sflag:s8] =	ssyncset.done $0x0  }
0x15: {  	[sflag:s8] =	ssyncadd.s32 $0xFFFFFFC0  }
0x16: {  	v3 =	vld [tilespmem:$0x0];
	_ =	sdelay $0x4  }
0x17: {  	v4 =	vshrl.u32 v3, $0x3  }
0x18: {  	v4 =	vmul.u32 $0x18, v4  }
0x19: {  	v3 =	vand.u32 $0x7, v3  }
0x1a: {  	v3 =	vor.u32 v3, v4  }
0x1b: {  	v4 =	vperm.xlane v3, v0;
	_ =	sdelay $0x1  }
0x1c: {  	v4 =	vadd.s32 v1, v4;
	_ =	sdelay $0x1  }
0x1d: {  	v3 =	vperm.xlane v3, v2;
	_ =	sdelay $0x1  }
0x1e: {  	v3 =	vadd.s32 v1, v3  }
0x1f: {  	[tilespmem:s9], [sflag:$0x1] =	stream.indirect_vreg.gather [hbm4b:s3+s2], $0x80, v4, vm0, $0xb8;
	[tilespmem:$0x6080] =	vst v63  }
0x20: {  	_ = 	snop  }
0x21: {  	[tilespmem:s10], [sflag:$0x1] =	stream.indirect_vreg.gather [hbm4b:s4+s2], $0x80, v4, vm1, $0xb8;
	[tilespmem:$0x6080] =	vst v63  }
0x22: {  	_ = 	snop  }
0x23: {  	[tilespmem:s11], [sflag:$0x1] =	stream.indirect_vreg.gather [hbm4b:s3+s2], $0x80, v3, vm0, $0xb8;
	[tilespmem:$0x6080] =	vst v63  }
0x24: {  	_ = 	snop  }
0x25: {  	[tilespmem:s12], [sflag:$0x1] =	stream.indirect_vreg.gather [hbm4b:s4+s2], $0x80, v3, vm1, $0xb8;
	[tilespmem:$0x6080] =	vst v63  }
0x26: {  	v3 =	vld [tilespmem:$0x10];
	_ =	sdelay $0x4  }
0x27: {  	v61 =	vshrl.u32 v3, $0x3  }
0x28: {  	v4 =	vmul.u32 $0x18, v61  }
0x29: {  	v3 =	vand.u32 $0x7, v3  }
0x2a: {  	v3 =	vor.u32 v3, v4  }
0x2b: {  	v4 =	vperm.xlane v3, v0;
	_ =	sdelay $0x1  }
0x2c: {  	v4 =	vadd.s32 v1, v4;
	_ =	sdelay $0x1  }
0x2d: {  	v3 =	vperm.xlane v3, v2;
	_ =	sdelay $0x1  }
0x2e: {  	v3 =	vadd.s32 v1, v3  }
0x2f: {  	[tilespmem:s13], [sflag:$0x1] =	stream.indirect_vreg.gather [hbm4b:s3+s2], $0x80, v4, vm0, $0xb8;
	[tilespmem:$0x6080] =	vst v63  }
0x30: {  	_ = 	snop  }
0x31: {  	[tilespmem:s14], [sflag:$0x1] =	stream.indirect_vreg.gather [hbm4b:s4+s2], $0x80, v4, vm1, $0xb8;
	[tilespmem:$0x6080] =	vst v63  }
0x32: {  	_ = 	snop  }
0x33: {  	[tilespmem:s15], [sflag:$0x1] =	stream.indirect_vreg.gather [hbm4b:s3+s2], $0x80, v3, vm0, $0xb8;
	[tilespmem:$0x6080] =	vst v63  }
0x34: {  	_ = 	snop  }
0x35: {  	[tilespmem:s16], [sflag:$0x1] =	stream.indirect_vreg.gather [hbm4b:s4+s2], $0x80, v3, vm1, $0xb8;
	[tilespmem:$0x6080] =	vst v63  }
0x36: {  	v3 =	vld [tilespmem:$0x20];
	_ =	sdelay $0x4  }
0x37: {  	v62 =	vshrl.u32 v3, $0x3  }
0x38: {  	v4 =	vmul.u32 $0x18, v62  }
0x39: {  	v3 =	vand.u32 $0x7, v3  }
0x3a: {  	v3 =	vor.u32 v3, v4  }
0x3b: {  	v4 =	vperm.xlane v3, v0;
	_ =	sdelay $0x1  }
0x3c: {  	v4 =	vadd.s32 v1, v4;
	_ =	sdelay $0x1  }
0x3d: {  	v3 =	vperm.xlane v3, v2;
	_ =	sdelay $0x1  }
0x3e: {  	v3 =	vadd.s32 v1, v3  }
0x3f: {  	[tilespmem:s17], [sflag:$0x1] =	stream.indirect_vreg.gather [hbm4b:s3+s2], $0x80, v4, vm0, $0xb8;
	[tilespmem:$0x6080] =	vst v63  }
0x40: {  	_ = 	snop  }
0x41: {  	[tilespmem:s18], [sflag:$0x1] =	stream.indirect_vreg.gather [hbm4b:s4+s2], $0x80, v4, vm1, $0xb8;
	[tilespmem:$0x6080] =	vst v63  }
0x42: {  	_ = 	snop  }
0x43: {  	[tilespmem:s19], [sflag:$0x1] =	stream.indirect_vreg.gather [hbm4b:s3+s2], $0x80, v3, vm0, $0xb8;
	[tilespmem:$0x6080] =	vst v63  }
0x44: {  	_ = 	snop  }
0x45: {  	[tilespmem:s20], [sflag:$0x1] =	stream.indirect_vreg.gather [hbm4b:s4+s2], $0x80, v3, vm1, $0xb8;
	[tilespmem:$0x6080] =	vst v63  }
0x46: {  	v3 =	vld [tilespmem:$0x30];
	_ =	sdelay $0x4  }
0x47: {  	v63 =	vshrl.u32 v3, $0x3  }
0x48: {  	v4 =	vmul.u32 $0x18, v63  }
0x49: {  	v3 =	vand.u32 $0x7, v3  }
0x4a: {  	v3 =	vor.u32 v3, v4  }
0x4b: {  	v4 =	vperm.xlane v3, v0;
	_ =	sdelay $0x1  }
0x4c: {  	v4 =	vadd.s32 v1, v4;
	_ =	sdelay $0x1  }
0x4d: {  	v3 =	vperm.xlane v3, v2;
	_ =	sdelay $0x1  }
0x4e: {  	v3 =	vadd.s32 v1, v3  }
0x4f: {  	[tilespmem:s21], [sflag:$0x1] =	stream.indirect_vreg.gather [hbm4b:s3+s2], $0x80, v4, vm0, $0xb8;
	[tilespmem:$0x6080] =	vst v63  }
0x50: {  	_ = 	snop  }
0x51: {  	[tilespmem:s22], [sflag:$0x1] =	stream.indirect_vreg.gather [hbm4b:s4+s2], $0x80, v4, vm1, $0xb8;
	[tilespmem:$0x6080] =	vst v63  }
0x52: {  	_ = 	snop  }
0x53: {  	[tilespmem:s23], [sflag:$0x1] =	stream.indirect_vreg.gather [hbm4b:s3+s2], $0x80, v3, vm0, $0xb8;
	[tilespmem:$0x6080] =	vst v63  }
0x54: {  	_ = 	snop  }
0x55: {  	[tilespmem:s24], [sflag:$0x1] =	stream.indirect_vreg.gather [hbm4b:s4+s2], $0x80, v3, vm1, $0xb8;
	[tilespmem:$0x6080] =	vst v63  }
0x56: {  	_ =	swait.ge [sflag:s25], $0x6000  }
0x57: {  	p0 =	sne.s32 s28, $0xC0;
	[sflag:s25] =	ssyncset.done $0x0  }
.Ltmp0:
0x58: {  	[sflag:s25] =	ssyncadd.s32 $0xFFFFA000;
	(pc) =	sbr.rel @p0 .LBB2_2-.Ltmp0, $4  }
0x59: {  	[hbm4b:s29+s2] =	stream.linear.scatter [tilespmem:s9], [sflag:$0x2], $0x6000, $0x38;
	[tilespmem:$0x6080] =	vst v63  }
0x5a: {  	_ =	swait.ge [sflag:s8], $0x6000  }
0x5b: {  	[sflag:s8] =	ssyncset.done $0x0  }
0x5c: {  	s28 =	sadd.s32 $0x8, s28;
	s29 =	sadd.s32 $0xC00, s29;
	[sflag:s8] =	ssyncadd.s32 $0xFFFFA000  }
0x5d: {  	s26 =	sadd.s32 $0x1, s26  }
0x5e: {  	p0 =	sne.s32 s26, s5  }
.Ltmp1:
0x5f: {  	_ = 	snop;
	(pc) =	sbr.rel @p0 .LBB2_1-.Ltmp1, $1  }
0x60: {  	_ =	sdelay $0x3  }
0x61: {  	_ =	sfence.sel $0x180000  }
0x62: {  	[bflag:$0x0] =	sbarrier.arrive $0xFFFF  }
0x63: {  	p0 =	sne.s32 s0, $0x0;
	_ =	strace $0x90000047  }
0x64: {  	s0 =	sadd.s32 @!p0 $0x100000, s1;
	[bflag:$0x2] =	sbarrier.arrive $0xFFFF  }
0x65: {  	[sflag:s0] =	ssyncadd.tile.s32 @!p0 $0x1;
	_ =	shalt  }
.Lfunc_end2:
_tile_overlayer_lowered:
.L_overlay_start_2:
0x66: {  	(tag) =	ssettag $0x2  }
0x67: {  	s0 =	rddreg [dreg:$0x0];
	s2 =	stileid.u32  }
0x68: {  	s1 =	rddreg [dreg:$0x1];
	p0 =	sne.s32 s2, $0x0  }
0x69: {  	s3 =	rddreg [dreg:$0x2];
	[bflag:$0x3] =	sbarrier.arrive $0xFFFF;
	s2 =	simm.s32 @!p0 $0x1C02  }
0x6a: {  	[timem:s3], [sflag:s2] =	dma.local @!p0 [hbm:s0], s1  }
0x6b: {  	s0 =	simm.s32 @!p0 $0x2  }
0x6c: {  	_ =	swait.ge @!p0 [sflag:s0], s1  }
0x6d: {  	s1 =	ssub.s32 @!p0 $0x0, s1;
	[sflag:s0] =	ssyncset.done @!p0 $0x0  }
0x6e: {  	[sflag:s0] =	ssyncadd.s32 @!p0 s1  }
0x6f: {  	[bflag:$0x3] =	sbarrier.arrive $0xFFFF  }
0x70: {  	_ =	shalt  }

// kernel: sparse-core-data-format-call.cloned.1.call-start
scs
called_computation_lowered:
.L_overlay_start_0:
0x0: {  	s2 =	sld [smem:$0x3FD9]  }
0x1: {  	s3 =	sld [smem:$0x3FFE];
	_ =	sdelay $0x1  }
0x2: {  	s1 =	srdreg.scid  }
0x3: {  	s0 =	sand.u32 $0x1, s1  }
0x4: {  	s18 =	sshll.u32 s0, $0xA;
	s2 =	sadd.s32 s3, s2  }
0x5: {  	s2 =	sadd.s32 s2, s18  }
0x6: {  	[smem:$0x3FBC] =	sst s2  }
0x7: {  	_ = 	snop  }
0x8: {  	s2 =	sld [smem:$0x3FD0];
	(tm) =	ssettm $0x1  }
0x9: {  	s19 =	sld [smem:$0x3FFB];
	_ =	sdelay $0x3  }
0xa: {  	_ =	strace s19  }
0xb: {  	s3 =	sld [smem:$0x3FFC];
	_ =	sdelay $0x3  }
0xc: {  	_ =	strace s3  }
0xd: {  	s3 =	sld [smem:$0x3FFD];
	_ =	sdelay $0x3  }
0xe: {  	_ =	strace s3  }
0xf: {  	_ =	strace $0x8FFFFFFF  }
0x10: {  	s20 =	sld [smem:$0x3FDB];
	_ =	sdelay $0x1  }
0x11: {  	s4 =	simm.s32 $_scs_section_size  }
0x12: {  	s5 =	simm.s32 $_size__tile_overlayer_lowered;
	s6 =	simm.s32 $_tile_overlayer_lowered  }
0x13: {  	s23 =	simm.s32 $0x1BFF;
	s22 =	sshll.u32 s6, $0x1;
	s3 =	sadd.s32 s4, s20  }
0x14: {  	s7 =	simm.s32 $0x0;
	s21 =	sshll.u32 s5, $0x1;
	s5 =	sadd.s32 s22, s3  }
0x15: {  	[timem:s7], [sflag:s23] =	dma.local [hbm:s5], s21  }
0x16: {  	_ =	swait.ge [sflag:s23], s21  }
0x17: {  	s4 =	ssub.s32 $0x0, s21;
	[sflag:s23] =	ssyncset.done $0x0  }
0x18: {  	[sflag:s23] =	ssyncadd.s32 s4;
	_ =	sdelay $0x1  }
0x19: {  	s24 =	simm.s32 $0x1B8B  }
0x1a: {  	_ =	swait.ge [sflag:s24], $0x1  }
0x1b: {  	[sflag:s24] =	ssyncset.done $0x0  }
0x1c: {  	s26 =	simm.s32 $0x1B8E;
	s25 =	sld [smem:$0x3FFE];
	[sflag:s24] =	ssyncadd.s32 $0xFFFFFFFF  }
0x1d: {  	s27 =	simm.s32 $execute0_lowered;
	[smem:$0x3FD2] =	sst s26  }
0x1e: {  	s5 =	sshll.u32 s27, $0x1;
	_ =	strace $0x80000052;
	[dreg:$0x1] =	wrdreg $0xFFFFFFFF  }
0x1f: {  	s28 =	simm.s32 $_size_execute0_lowered;
	s3 =	sadd.s32 s3, s5;
	[dreg:$0x0] =	wrdreg $0x0  }
0x20: {  	s5 =	sshll.u32 s28, $0x1;
	[dreg:$0x2] =	wrdreg s3  }
0x21: {  	[dreg:$0x3] =	wrdreg s5  }
0x22: {  	[dreg:$0x4] =	wrdreg $0xC0  }
0x23: {  	_ =	task [dreg:s7], $0x5FFFF  }
0x24: {  	[dreg:$0x1] =	wrdreg $0xFFFFFFFF  }
0x25: {  	[dreg:$0x0] =	wrdreg $0x60  }
0x26: {  	[dreg:$0x2] =	wrdreg s25  }
0x27: {  	[dreg:$0x3] =	wrdreg s2  }
0x28: {  	[dreg:$0x4] =	wrdreg $0x9  }
0x29: {  	_ =	task.clear_ibuf [dreg:s7], $0x5FFFF;
	_ =	strace $0x90000052  }
0x2a: {  	s29 =	simm.s32 $0x9;
	_ =	strace $0x80000054  }
0x2b: {  	_ =	swait.ge [sflag:s29], $0x1  }
0x2c: {  	[sflag:s29] =	ssyncadd.s32 $0xFFFFFFFF  }
0x2d: {  	_ =	strace $0x90000054  }
0x2e: {  	_ =	sfence  }
0x2f: {  	s30 =	sld [smem:$0x0];
	_ =	sdelay $0x2  }
0x30: {  	s31 =	sshll.u32 s1, $0xD;
	s1 =	sshrl.u32 s1, $0x2  }
0x31: {  	s3 =	sand.u32 $0x4000, s31;
	s1 =	sadd.s32 s1, s30  }
0x32: {  	s0 =	sor.u32 s3, s0;
	s1 =	sshll.u32 s1, $0x11  }
0x33: {  	s0 =	sor.u32 s1, s0  }
0x34: {  	s0 =	sadd.s32 $0x8F2B, s0  }
0x35: {  	[sflag:s0] =	ssyncadd.remote.s32 $0x1  }
0x36: {  	_ =	sfence.sel $0xFFFF  }
0x37: {  	[dreg:$0x0] =	wrdreg $0xFFFFFFFF;
	(pc) =	sbr.abs _section_cstart, $3  }
0x38: {  	[dreg:$0x1] =	wrdreg $0xFFFFFFFF  }
0x39: {  	_ =	task.clear_ibuf [dreg:s7], $0x2FFFF;
	_ =	strace $0x9FFFFFFF  }
0x3a: {  	(tm) =	ssettm $0x7FFFFFFF  }
0x3b: {  	_ =	shalt  }
tec
execute0_lowered:
.L_overlay_start_1:
0x0: {  	(tag) =	ssettag $0x1  }
0x1: {  	s4 =	rddreg [dreg:$0x0]  }
0x2: {  	s0 =	stileid.u32;
	s2 =	rddreg [dreg:$0x1]  }
0x3: {  	s7 =	srdreg.scid;
	s8 =	simm.s32 $0x2;
	s17 =	simm.s32 $0x0  }
0x4: {  	s9 =	simm.s32 $0x32000;
	s19 =	simm.s32 $0x0;
	s18 =	simm.s32 $0x0  }
0x5: {  	s10 =	simm.s32 $0x0;
	s11 =	simm.s32 $0x0;
	s1 =	sshll.u32 s0, $0x7  }
0x6: {  	s12 =	simm.s32 $0x0;
	s13 =	simm.s32 $0x0;
	s3 =	sand.u32 $0x380, s1  }
0x7: {  	s16 =	simm.s32 $0x0;
	s7 =	sshll.u32 s7, $0x4;
	s5 =	ssub.s32 $0x400, s3  }
0x8: {  	s4 =	sadd.s32 $0xBA3C00, s4;
	s1 =	rddreg [dreg:$0x2];
	s6 =	sand.u32 $0x380, s5  }
0x9: {  	s7 =	sand.u32 $0x10, s7;
	p0 =	sne.s32 s6, $0x0;
	s6 =	simm.s32 $0x1  }
.Ltmp0:
0xa: {  	s5 =	sshrl.u32 s5, $0xA;
	s6 =	simm.s32 @!p0 $0x0;
	(pc) =	sbr.rel .LBB1_1-.Ltmp0, $4  }
0xb: {  	_ =	strace $0x80000053;
	s7 =	sor.u32 s0, s7;
	s6 =	sadd.s32 s6, s5  }
0xc: {  	s7 =	sshrl.u32 s7, $0x3;
	s5 =	simm.s32 $0x1;
	s6 =	smul.u32 $0x96, s6  }
0xd: {  	s15 =	smov.u32 s3;
	s14 =	smov.u32 s7;
	[sflag:s5] =	ssyncpa.u1 $0x0  }
0xe: {  	p0 =	por $0x0, $0x0;
	[sflag:s8] =	ssyncpa.u1 $0x0;
	s8 =	sor.u32 $0x1, s6  }
.LBB1_4:
0xf: {  	s25 =	sshll.u32 s11, $0xA;
	s26 =	sshll.u32 s12, $0x3;
	s24 =	sshra.s32 s24, $0x2  }
0x10: {  	p1 =	sgt.s32 s10, $0xEC;
	s27 =	sshra.s32 s11, $0x1F;
	s28 =	sshra.s32 s10, $0x1F  }
0x11: {  	s29 =	sshra.s32 s12, $0x1F;
	s25 =	sand.u32 $0xFFFFE000, s25;
	s26 =	sand.u32 $0xFFFFFC00, s26  }
0x12: {  	s23 =	sadd.s32 s24, s23;
	s27 =	sand.u32 s27, s11;
	s25 =	sadd.s32 s26, s25  }
0x13: {  	s28 =	sand.u32 s28, s10;
	s24 =	sshrl.u32 s25, $0xA;
	s25 =	smov.u32 s10  }
0x14: {  	s26 =	smov.u32 s11;
	s25 =	simm.s32 @!p1 $0xEC;
	p1 =	sgt.s32 s11, $0xC7  }
0x15: {  	[tilespmem:s22+$0x2040 ss:$0x81] =	vst.msk $0xffff, v4;
	s29 =	sand.u32 s29, s12;
	s30 =	smulhi.u32 $0x147AE15, s24;
	s26 =	simm.s32 @!p1 $0xC7  }
0x16: {  	v5 =	vld [tilespmem:s21+$0xFFFFFFD0];
	[tilespmem:s22+$0x2850 ss:$0x81] =	vst.msk $0xffff, v3;
	p1 =	sgt.s32 s12, $0x380;
	s25 =	ssub.s32 s25, s28;
	s26 =	ssub.s32 s26, s27  }
0x17: {  	v58 =	vld [tilespmem:s21+$0xFFFFFFE0];
	[tilespmem:s22+$0x3060 ss:$0x81] =	vst.msk $0xffff, v2;
	s27 =	smov.u32 s12;
	s28 =	sadd.s32 $0xFFFFFF14, s25;
	s25 =	ssub.s32 $0x16C, s25  }
0x18: {  	v59 =	vld [tilespmem:s21+$0xFFFFFFF0];
	[tilespmem:s22+$0x0 ss:$0x81] =	vst.msk $0xffff, v1;
	s27 =	simm.s32 @!p1 $0x380;
	s31 =	sadd.s32 $0xFFFFFF39, s26;
	s22 =	ssub.s32 $0xC8, s26  }
0x19: {  	v60 =	vld [tilespmem:s21+$0x0];
	s27 =	ssub.s32 s27, s29;
	p1 =	sgt.s32 s31, $0x0;
	s29 =	smul.u32 $0xC8, s30  }
0x1a: {  	v61 =	vld [tilespmem:s21+$0x10];
	[tilespmem:s23+$0x3870 ss:$0x81] =	vst.msk $0xffff, v0;
	s30 =	sshll.u32 s11, $0x7;
	s31 =	sadd.s32 $0xFFFFFC80, s27;
	s26 =	ssub.s32 $0x400, s27  }
0x1b: {  	v62 =	vld [tilespmem:s21+$0x20];
	[tilespmem:s23+$0x810 ss:$0x81] =	vst.msk $0xffff, v5;
	s22 =	simm.s32 @p1 $0x0;
	p1 =	sgt.s32 s28, $0x7F;
	p2 =	sgt.s32 s31, $0x7F  }
0x1c: {  	v63 =	vld [tilespmem:s21+$0xFFFFFFC0];
	[tilespmem:s23+$0x1020 ss:$0x81] =	vst.msk $0xffff, v58;
	s27 =	sand.u32 $0x78, s12;
	s31 =	smul.u32 $0x6400, s10;
	s26 =	simm.s32 @p2 $0x0  }
0x1d: {  	[tilespmem:s23+$0x1830 ss:$0x81] =	vst.msk $0xffff, v59;
	s21 =	sand.u32 $0x380, s30;
	s25 =	simm.s32 @p1 $0x0;
	s22 =	smul.u32 s26, s22  }
0x1e: {  	[tilespmem:s23+$0x2040 ss:$0x81] =	vst.msk $0xffff, v60;
	s21 =	sor.u32 s27, s21;
	s24 =	ssub.s32 s24, s29;
	s29 =	sand.u32 $0x7, s12  }
0x1f: {  	[tilespmem:s23+$0x2850 ss:$0x81] =	vst.msk $0xffff, v61;
	s21 =	sshrl.u32 s21, $0x3;
	s28 =	sadd.s32 s2, s31;
	s22 =	smul.u32 s25, s22  }
0x20: {  	[tilespmem:s23+$0x3060 ss:$0x81] =	vst.msk $0xffff, v62;
	s24 =	sshll.u32 s24, $0x7;
	s30 =	sshll.u32 s29, $0x12;
	s21 =	sadd.s32 s21, s28  }
0x21: {  	[tilespmem:s23+$0x0 ss:$0x81] =	vst.msk $0xffff, v63;
	s31 =	sor.u32 $0x80, s30;
	s21 =	sadd.s32 s24, s21;
	s22 =	sand.u32 $0x3FFFFFFF, s22  }
0x22: {  	[hbm4b:s21+s31] =	stream.strided.scatter [tilespmem:s20], [sflag:$0x2], s22, s9, s31, $0x20;
	[tilespmem:$0x10100] =	vst v63  }
.LBB1_5:
0x23: {  	p1 =	slt.u32 s16, $0x2;
	s21 =	smov.u32 s19  }
0x24: {  	p2 =	sgt.s32 @!p1 s17, $0xEC;
	s20 =	sshra.s32 @!p1 s17, $0x1F;
	p3 =	sgt.s32 @!p1 s19, $0xC7  }
0x25: {  	s22 =	sshra.s32 @!p1 s19, $0x1F;
	p2 =	por !p2, p1;
	s20 =	sand.u32 @!p1 s20, s17  }
0x26: {  	p3 =	por !p3, p1;
	s19 =	sand.u32 @!p1 s22, s19;
	s22 =	sshra.s32 @!p1 s18, $0x1F  }
0x27: {  	s21 =	simm.s32 @p3 $0xC7;
	p3 =	sgt.s32 @!p1 s18, $0x380;
	s17 =	simm.s32 @p2 $0xEC  }
0x28: {  	s19 =	ssub.s32 @!p1 s21, s19;
	p3 =	por !p3, p1;
	s21 =	smov.u32 s18  }
0x29: {  	s18 =	sand.u32 @!p1 s22, s18;
	s17 =	ssub.s32 @!p1 s17, s20;
	s21 =	simm.s32 @p3 $0x380  }
0x2a: {  	s20 =	sadd.s32 @!p1 $0xFFFFFF39, s19;
	s19 =	ssub.s32 @!p1 $0xC8, s19;
	s18 =	ssub.s32 @!p1 s21, s18  }
0x2b: {  	s21 =	sadd.s32 @!p1 $0xFFFFFF14, s17;
	p2 =	sgt.s32 @!p1 s20, $0x0;
	s20 =	sadd.s32 @!p1 $0xFFFFFC80, s18  }
0x2c: {  	s17 =	ssub.s32 @!p1 $0x16C, s17;
	p2 =	por !p2, p1;
	p3 =	sgt.s32 @!p1 s20, $0x7F  }
0x2d: {  	s18 =	ssub.s32 @!p1 $0x400, s18;
	s19 =	simm.s32 @!p2 $0x0;
	p2 =	por !p3, p1  }
0x2e: {  	s20 =	sadd.s32 $0x80, s13;
	p3 =	sgt.s32 @!p1 s21, $0x7F;
	s18 =	simm.s32 @!p2 $0x0  }
0x2f: {  	s21 =	smov.u32 s14;
	p2 =	por !p3, p1;
	s18 =	smul.u32 @!p1 s18, s19  }
0x30: {  	s17 =	simm.s32 @!p2 $0x0;
	p2 =	sgt.s32 s20, $0x16B;
	s19 =	sadd.s32 $0x4, s14  }
0x31: {  	s22 =	smov.u32 s15;
	s21 =	smov.u32 @p2 s19  }
0x32: {  	s17 =	smul.u32 @!p1 s17, s18;
	p3 =	sgt.s32 s21, $0xC7;
	s18 =	sadd.s32 $0x400, s15  }
0x33: {  	p0 =	por !p0, !p0;
	s23 =	simm.s32 @!p1 $0x2;
	s22 =	smov.u32 @p3 s18  }
0x34: {  	s20 =	simm.s32 @p2 $0x0;
	s19 =	smov.u32 s11;
	p2 =	sgt.s32 s22, $0x3FF  }
0x35: {  	s11 =	smov.u32 s14;
	s22 =	smov.u32 @p2 s3;
	p2 =	sne.s32 s16, s8  }
.Ltmp1:
0x36: {  	s21 =	smov.u32 @p3 s7;
	s18 =	smov.u32 s12;
	(pc) =	sbr.rel @!p2 .LBB1_6-.Ltmp1, $4  }
0x37: {  	s12 =	smov.u32 s15;
	s17 =	sand.u32 @!p1 $0x3FFFFFFF, s17;
	s14 =	smov.u32 s21  }
0x38: {  	_ =	swait.ge @!p1 [sflag:s23], s17;
	s24 =	ssub.s32 @!p1 $0x0, s17;
	s17 =	smov.u32 s10  }
0x39: {  	s16 =	sadd.s32 $0x1, s16;
	s10 =	smov.u32 s13;
	[sflag:s23] =	ssyncset.done @!p1 $0x0  }
0x3a: {  	s13 =	smov.u32 s20;
	s15 =	smov.u32 s22;
	[sflag:s23] =	ssyncadd.s32 @!p1 s24  }
.LBB1_1:
0x3b: {  	p1 =	sge.u32 s16, s6  }
0x3c: {  	s20 =	sshrl.u32 @!p1 s14, $0x3  }
0x3d: {  	s21 =	sshll.u32 @!p1 s13, $0x3;
	s20 =	smul.u32 @!p1 $0xC00, s20  }
0x3e: {  	s22 =	sshll.u32 @!p1 s14, $0x7;
	s21 =	sand.u32 @!p1 $0xFFFFFC00, s21  }
0x3f: {  	s20 =	sadd.s32 @!p1 s20, s21;
	s21 =	sand.u32 @!p1 $0x380, s22  }
0x40: {  	s20 =	sor.u32 @!p1 s21, s20  }
0x41: {  	s21 =	sand.u32 @!p1 $0x7F, s13;
	s22 =	smulhi.u32 @!p1 $0xAAAAAAAB, s20  }
0x42: {  	s20 =	sor.u32 @!p1 s21, s20  }
0x43: {  	s21 =	smulhi.u32 @!p1 $0xAAAAAAAB, s20;
	s22 =	sshrl.u32 @!p1 s22, $0x8  }
0x44: {  	s23 =	smulhi.u32 @!p1 $0x147AE15, s22;
	_ =	sdelay $0x1  }
0x45: {  	s21 =	sshrl.u32 @!p1 s21, $0x8;
	s23 =	smul.u32 @!p1 $0xC8, s23  }
0x46: {  	s31 =	sadd.s32 $0xFFFFFFFF, s16;
	s21 =	smul.u32 @!p1 $0x180, s21  }
0x47: {  	s24 =	sxor.u32 @!p1 $0xFFFFFFFF, s16;
	s22 =	ssub.s32 @!p1 s22, s23;
	s23 =	smul.u32 @!p1 $0x2580, s15  }
0x48: {  	s24 =	sshll.u32 @!p1 s24, $0xE;
	s20 =	ssub.s32 @!p1 s20, s21;
	s21 =	smul.u32 @!p1 $0x30, s22  }
0x49: {  	s22 =	sand.u32 @!p1 $0x4000, s24;
	s24 =	sand.u32 @!p1 $0x7, s20;
	s23 =	sadd.s32 @!p1 s4, s23  }
0x4a: {  	s20 =	sshrl.u32 @!p1 s20, $0x3;
	s21 =	sadd.s32 @!p1 s21, s23;
	s23 =	sshll.u32 @!p1 s24, $0x12  }
0x4b: {  	s20 =	sadd.s32 @!p1 s20, s21;
	s21 =	sor.u32 @!p1 $0x80, s23;
	s23 =	simm.s32 @!p1 $0x12C00  }
0x4c: {  	[tilespmem:s22], [sflag:$0x1] =	stream.strided.gather @!p1 [hbm4b:s20+s21], $0x4000, s23, s21, $0x38;
	[tilespmem:$0x10100] =	vst v63  }
0x4d: {  	p1 =	sge.u32 s31, s6  }
.Ltmp2:
0x4e: {  	_ = 	snop;
	(pc) =	sbr.rel @p1 .LBB1_5-.Ltmp2, $1  }
0x4f: {  	_ =	sdelay $0x3  }
0x50: {  	s20 =	simm.s32 $0x1  }
0x51: {  	_ =	swait.ge [sflag:s5], $0x4000;
	s20 =	simm.s32 @!p0 $0x0  }
0x52: {  	[sflag:s5] =	ssyncset.done $0x0;
	s21 =	sshll.u32 s20, $0xE  }
0x53: {  	[sflag:s5] =	ssyncadd.s32 $0xFFFFC000;
	s21 =	sor.u32 $0x40, s21  }
0x54: {  	s20 =	smul.u32 $0x10200, s20;
	v0 =	vld [tilespmem:s21+$0x30]  }
0x55: {  	v1 =	vld [tilespmem:s21+$0xFFFFFFD0]  }
0x56: {  	s20 =	sshrl.u32 s20, $0x2;
	v5 =	vld [tilespmem:s21+$0xFFFFFFE0]  }
0x57: {  	v6 =	vld [tilespmem:s21+$0xFFFFFFF0];
	s23 =	sor.u32 $0x8000, s20  }
0x58: {  	s31 =	sand.u32 $0x1, s16;
	v4 =	vld [tilespmem:s21+$0x0];
	s22 =	sadd.s32 $0x0, s23  }
0x59: {  	v3 =	vld [tilespmem:s21+$0x10];
	s20 =	smul.u32 $0x10200, s31;
	[tilespmem:s22+$0x3870 ss:$0x81] =	vst.msk $0xffff, v0  }
0x5a: {  	v2 =	vld [tilespmem:s21+$0x20];
	[tilespmem:s22+$0x810 ss:$0x81] =	vst.msk $0xffff, v1  }
0x5b: {  	s20 =	sshrl.u32 s20, $0x2;
	v1 =	vld [tilespmem:s21+$0xFFFFFFC0];
	[tilespmem:s22+$0x1020 ss:$0x81] =	vst.msk $0xffff, v5;
	s21 =	sadd.s32 $0x80, s21  }
0x5c: {  	s24 =	simm.s32 $0x4;
	s25 =	simm.s32 $0x8;
	s20 =	sor.u32 $0x8000, s20;
	[tilespmem:s22+$0x1830 ss:$0x81] =	vst.msk $0xffff, v6;
	v0 =	vld [tilespmem:s21+$0x30]  }
.LBB1_3:
0x5d: {  	p1 =	sne.s32 s25, $0x1FC;
	v5 =	vld [tilespmem:s21+$0xFFFFFFD0];
	[tilespmem:s22+$0x2040 ss:$0x81] =	vst.msk $0xffff, v4  }
0x5e: {  	v6 =	vld [tilespmem:s21+$0xFFFFFFE0];
	[tilespmem:s22+$0x2850 ss:$0x81] =	vst.msk $0xffff, v3  }
0x5f: {  	s26 =	sshra.s32 s24, $0x2;
	s24 =	smov.u32 s25;
	v7 =	vld [tilespmem:s21+$0xFFFFFFF0];
	[tilespmem:s22+$0x3060 ss:$0x81] =	vst.msk $0xffff, v2  }
.Ltmp3:
0x60: {  	v4 =	vld [tilespmem:s21+$0x0];
	[tilespmem:s22+$0x0 ss:$0x81] =	vst.msk $0xffff, v1;
	s22 =	sadd.s32 s26, s23;
	(pc) =	sbr.rel @p1 .LBB1_3-.Ltmp3, $4  }
0x61: {  	v3 =	vld [tilespmem:s21+$0x10];
	[tilespmem:s22+$0x3870 ss:$0x81] =	vst.msk $0xffff, v0  }
0x62: {  	[tilespmem:s22+$0x810 ss:$0x81] =	vst.msk $0xffff, v5;
	v2 =	vld [tilespmem:s21+$0x20]  }
0x63: {  	v1 =	vld [tilespmem:s21+$0xFFFFFFC0];
	[tilespmem:s22+$0x1020 ss:$0x81] =	vst.msk $0xffff, v6;
	s21 =	sadd.s32 $0x80, s21  }
0x64: {  	s25 =	sadd.s32 $0x4, s25;
	v0 =	vld [tilespmem:s21+$0x30];
	[tilespmem:s22+$0x1830 ss:$0x81] =	vst.msk $0xffff, v7  }
.Ltmp4:
0x65: {  	_ = 	snop;
	(pc) =	sbr.rel .LBB1_4-.Ltmp4, $1  }
0x66: {  	_ =	sdelay $0x3  }
.LBB1_6:
0x67: {  	_ =	sfence.sel $0x180000  }
0x68: {  	s2 =	simm.s32 $0x1;
	[bflag:$0x0] =	sbarrier.arrive $0xFFFF  }
0x69: {  	s31 =	simm.s32 $0x2;
	[sflag:s2] =	ssyncpa.u1 $0x1  }
0x6a: {  	[sflag:s31] =	ssyncpa.u1 $0x1  }
0x6b: {  	p0 =	sne.s32 s0, $0x0;
	_ =	strace $0x90000053  }
0x6c: {  	s0 =	sadd.s32 @!p0 $0x100000, s1;
	[bflag:$0x2] =	sbarrier.arrive $0xFFFF  }
0x6d: {  	[sflag:s0] =	ssyncadd.tile.s32 @!p0 $0x1;
	_ =	shalt  }
.Lfunc_end1:
_tile_overlayer_lowered:
.L_overlay_start_2:
0x6e: {  	(tag) =	ssettag $0x2  }
0x6f: {  	s0 =	rddreg [dreg:$0x0];
	s2 =	stileid.u32  }
0x70: {  	s1 =	rddreg [dreg:$0x1];
	p0 =	sne.s32 s2, $0x0  }
0x71: {  	s3 =	rddreg [dreg:$0x2];
	[bflag:$0x3] =	sbarrier.arrive $0xFFFF;
	s2 =	simm.s32 @!p0 $0x1C01  }
0x72: {  	[timem:s3], [sflag:s2] =	dma.local @!p0 [hbm:s0], s1  }
0x73: {  	s0 =	simm.s32 @!p0 $0x1  }
0x74: {  	_ =	swait.ge @!p0 [sflag:s0], s1  }
0x75: {  	s1 =	ssub.s32 @!p0 $0x0, s1;
	[sflag:s0] =	ssyncset.done @!p0 $0x0  }
0x76: {  	[sflag:s0] =	ssyncadd.s32 @!p0 s1  }
0x77: {  	[bflag:$0x3] =	sbarrier.arrive $0xFFFF  }
0x78: {  	_ =	shalt  }

</sc_bundles>
